<compile_context>
chip_gen: v7x
topology: tpu7x:2x2x1
jax: 0.10.2.dev20260603
libtpu: 0.0.44.dev20260713+nightly
codegen_flags: <defaults>
</compile_context>

<pallas_src>
import functools

import jax
import jax.numpy as jnp
from jax import lax
from jax.experimental import pallas as pl
from jax.experimental.pallas import tpu as pltpu
from jax.experimental.pallas import tpu_sc as plsc

EMBED = 64
IDX_CHUNK = 128
LANES = 16


def _combo_body(dom_ref, sys_ref, w1_ref, b1_ref, g_ref, bt_ref,
                w2_ref, b2_ref, out_ref):
    n = dom_ref.shape[0]
    hd = jnp.dot(dom_ref[...], w1_ref[:EMBED, :],
                 preferred_element_type=jnp.float32)
    hs = jnp.dot(sys_ref[...], w1_ref[EMBED:, :],
                 preferred_element_type=jnp.float32)
    h = hd[:, None, :] + hs[None, :, :] + b1_ref[...]
    mean = jnp.mean(h, axis=-1, keepdims=True)
    var = jnp.mean((h - mean) * (h - mean), axis=-1, keepdims=True)
    h = (h - mean) * lax.rsqrt(var + 1e-5) * g_ref[...] + bt_ref[...]
    h = h * jax.nn.sigmoid(h)
    h2 = h.reshape(n * n, 2 * EMBED)
    out_ref[...] = (jnp.dot(h2, w2_ref[...],
                            preferred_element_type=jnp.float32)
                    + b2_ref[...])


def _tc_combo(dom_tab, sys_tab, W1, b1, ln_gamma, ln_beta, W2, b2):
    n = dom_tab.shape[0]
    d2 = 2 * EMBED
    full = lambda r, c: pl.BlockSpec((r, c), lambda: (0, 0))
    return pl.pallas_call(
        _combo_body,
        in_specs=[
            full(n, EMBED),
            full(n, EMBED),
            full(d2, d2),
            full(1, d2),
            full(1, d2),
            full(1, d2),
            full(d2, EMBED),
            full(1, EMBED),
        ],
        out_specs=pl.BlockSpec((n * n, EMBED), lambda: (0, 0)),
        out_shape=jax.ShapeDtypeStruct((n * n, EMBED), jnp.float32),
    )(dom_tab, sys_tab, W1, b1[None], ln_gamma[None], ln_beta[None],
      W2, b2[None])


def _sc_gather_combo(combo_tab, dom_idx2d, sys_idx2d, batch, n):
    info = plsc.get_sparse_core_info()
    nw = info.num_cores * info.num_subcores
    bpw = batch // nw
    nch = bpw // IDX_CHUNK

    mesh = plsc.VectorSubcoreMesh(core_axis_name="c", subcore_axis_name="s")

    @functools.partial(
        pl.kernel,
        mesh=mesh,
        compiler_params=pltpu.CompilerParams(use_tc_tiling_on_sc=False),
        out_type=jax.ShapeDtypeStruct((batch, EMBED), jnp.float32),
        scratch_types=[
            pltpu.VMEM((nch, IDX_CHUNK), jnp.int32),
            pltpu.VMEM((nch, IDX_CHUNK), jnp.int32),
            pltpu.VMEM((nch, IDX_CHUNK), jnp.int32),
            pltpu.VMEM((bpw, EMBED), jnp.float32),
            pltpu.SemaphoreType.DMA,
            pltpu.SemaphoreType.DMA,
        ],
    )
    def gather(combo_h, dom_idx_h, sys_idx_h, out_h,
               didx_v, sidx_v, cidx_v, rows_v, sem, wsem):
        wid = lax.axis_index("s") * info.num_cores + lax.axis_index("c")
        base = wid * bpw
        row0 = wid * nch
        i1 = pltpu.async_copy(dom_idx_h.at[pl.ds(row0, nch)], didx_v, sem)
        i2 = pltpu.async_copy(sys_idx_h.at[pl.ds(row0, nch)], sidx_v, sem)
        i1.wait()
        i2.wait()
        for j in range(nch):
            for k in range(IDX_CHUNK // LANES):
                sl = pl.ds(k * LANES, LANES)
                cidx_v[j, sl] = didx_v[j, sl] * n + sidx_v[j, sl]
        copies = []
        for j in range(nch):
            dst = pl.ds(j * IDX_CHUNK, IDX_CHUNK)
            copies.append(
                pltpu.async_copy(combo_h.at[cidx_v.at[j]], rows_v.at[dst], sem))
        for c in copies:
            c.wait()
        pltpu.async_copy(rows_v, out_h.at[pl.ds(base, bpw)], wsem).wait()

    return gather(combo_tab, dom_idx2d, sys_idx2d)


def kernel(domain_ids, system_ids, domain_table, system_table,
           W1, b1, ln_gamma, ln_beta, W2, b2):
    batch = domain_ids.shape[0]
    n = domain_table.shape[0]
    dom_idx2d = domain_ids.astype(jnp.int32).reshape(-1, IDX_CHUNK)
    sys_idx2d = system_ids.astype(jnp.int32).reshape(-1, IDX_CHUNK)
    combo = _tc_combo(domain_table, system_table, W1, b1,
                      ln_gamma, ln_beta, W2, b2)
    return _sc_gather_combo(combo, dom_idx2d, sys_idx2d, batch, n)

# --- scband reference (transcript-rebuilt; emitter-appended) ---
"""Pipeline reference for scband-conditional-encoder-81200651698198 (READ-ONLY COPY).

The authoritative reference and input builder live on the scoring server;
editing this copy changes nothing except your own understanding.
"""

import jax, jax.numpy as jnp
import numpy as np

EMBED_DIM = 64
NUM_DOMAINS = 50
NUM_SYSTEMS = 50
BATCH = 16384


def setup_inputs(seed: int = 0) -> dict:
    key = jax.random.key(seed)
    ks = jax.random.split(key, 10)
    domain_ids = jax.random.randint(ks[0], (BATCH,), 0, NUM_DOMAINS + 1, dtype=jnp.int64 if jax.config.jax_enable_x64 else jnp.int32)
    system_ids = jax.random.randint(ks[1], (BATCH,), 0, NUM_SYSTEMS + 1, dtype=jnp.int64 if jax.config.jax_enable_x64 else jnp.int32)
    # embedding tables, padding_idx=0 zeroed, normal std=0.02
    domain_table = 0.02 * jax.random.normal(ks[2], (NUM_DOMAINS + 1, EMBED_DIM), dtype=jnp.float32)
    domain_table = domain_table.at[0].set(0.0)
    system_table = 0.02 * jax.random.normal(ks[3], (NUM_SYSTEMS + 1, EMBED_DIM), dtype=jnp.float32)
    system_table = system_table.at[0].set(0.0)
    # fusion MLP params (xavier uniform)
    d2 = EMBED_DIM * 2
    lim1 = float(np.sqrt(6.0 / (d2 + d2)))
    W1 = jax.random.uniform(ks[4], (d2, d2), minval=-lim1, maxval=lim1, dtype=jnp.float32)
    b1 = jnp.zeros((d2,), dtype=jnp.float32)
    ln_gamma = jnp.ones((d2,), dtype=jnp.float32)
    ln_beta = jnp.zeros((d2,), dtype=jnp.float32)
    lim2 = float(np.sqrt(6.0 / (d2 + EMBED_DIM)))
    W2 = jax.random.uniform(ks[5], (d2, EMBED_DIM), minval=-lim2, maxval=lim2, dtype=jnp.float32)
    b2 = jnp.zeros((EMBED_DIM,), dtype=jnp.float32)
    return {
        'domain_ids': domain_ids,
        'system_ids': system_ids,
        'domain_table': domain_table,
        'system_table': system_table,
        'W1': W1,
        'b1': b1,
        'ln_gamma': ln_gamma,
        'ln_beta': ln_beta,
        'W2': W2,
        'b2': b2,
    }


def reference(domain_ids, system_ids, domain_table, system_table, W1, b1, ln_gamma, ln_beta, W2, b2):
    # embedding lookups (gather)
    domain_emb = jnp.take(domain_table, domain_ids, axis=0)
    system_emb = jnp.take(system_table, system_ids, axis=0)
    combined = jnp.concatenate([domain_emb, system_emb], axis=-1)
    # fusion: Linear -> LayerNorm -> SiLU -> Dropout(eval: identity) -> Linear
    h = combined @ W1 + b1
    mean = jnp.mean(h, axis=-1, keepdims=True)
    var = jnp.var(h, axis=-1, keepdims=True)
    h = (h - mean) / jnp.sqrt(var + 1e-5) * ln_gamma + ln_beta
    h = h * jax.nn.sigmoid(h)  # SiLU
    out = h @ W2 + b2
    return out

if __name__ == "__main__":
    import jax
    _d = setup_inputs()
    print(jax.jit(kernel)(*tuple(_d.values())))

</pallas_src>

<mosaic_0001>
#map = affine_map<(d0, d1) -> (0, 0)>
module attributes {stable_mosaic.version = 14 : i64} {
  func.func @gather(%arg0: i32, %arg1: i32, %arg2: memref<2601x64xf32, #tpu.memory_space<hbm>>, %arg3: memref<128x128xi32, #tpu.memory_space<hbm>>, %arg4: memref<128x128xi32, #tpu.memory_space<hbm>>, %arg5: memref<16384x64xf32, #tpu.memory_space<hbm>>, %arg6: memref<4x128xi32, #tpu.memory_space<vmem>>, %arg7: memref<4x128xi32, #tpu.memory_space<vmem>>, %arg8: memref<4x128xi32, #tpu.memory_space<vmem>>, %arg9: memref<512x64xf32, #tpu.memory_space<vmem>>, %arg10: memref<!tpu.dma_semaphore, #tpu.memory_space<semaphore_mem>>, %arg11: memref<!tpu.dma_semaphore, #tpu.memory_space<semaphore_mem>>) attributes {dimension_semantics = [#tpu.dimension_semantics<core_parallel>, #tpu.dimension_semantics<subcore_parallel>], iteration_bounds = array<i64: 2, 16>, scalar_prefetch = 0 : i64, scratch_operands = 6 : i64, tpu.core_type = #tpu.core_type<sc_vector_subcore>, window_params = [{transform_indices = #map}, {transform_indices = #map}, {transform_indices = #map}, {transform_indices = #map}]} {
    %mul3A = arith.constant 2 : i32
    %mul3A_0 = arith.muli %arg1, %mul3A : i32
    %add3A = arith.addi %mul3A_0, %arg0 : i32
    %mul3A_1 = arith.constant 512 : i32
    %mul3A_2 = arith.muli %add3A, %mul3A_1 : i32
    %mul3A_3 = arith.constant 4 : i32
    %mul3A_4 = arith.muli %add3A, %mul3A_3 : i32
    %dma_start3A = arith.constant 0 : i32
    %dma_start3A_5 = tpu.memref_slice %arg3[%mul3A_4, %dma_start3A] : memref<128x128xi32, #tpu.memory_space<hbm>> -> memref<4x128xi32, #tpu.memory_space<hbm>>
    %dma_start3A_6 = arith.constant 0 : i32
    %dma_start3A_7 = tpu.memref_slice %arg3[%mul3A_4, %dma_start3A_6] : memref<128x128xi32, #tpu.memory_space<hbm>> -> memref<4x128xi32, #tpu.memory_space<hbm>>
    tpu.enqueue_dma source(%dma_start3A_7 : memref<4x128xi32, #tpu.memory_space<hbm>>) target(%arg6 : memref<4x128xi32, #tpu.memory_space<vmem>>) target_semaphore(%arg10 : memref<!tpu.dma_semaphore, #tpu.memory_space<semaphore_mem>>)
    %dma_start3A_8 = arith.constant 0 : i32
    %dma_start3A_9 = tpu.memref_slice %arg4[%mul3A_4, %dma_start3A_8] : memref<128x128xi32, #tpu.memory_space<hbm>> -> memref<4x128xi32, #tpu.memory_space<hbm>>
    %dma_start3A_10 = arith.constant 0 : i32
    %dma_start3A_11 = tpu.memref_slice %arg4[%mul3A_4, %dma_start3A_10] : memref<128x128xi32, #tpu.memory_space<hbm>> -> memref<4x128xi32, #tpu.memory_space<hbm>>
    tpu.enqueue_dma source(%dma_start3A_11 : memref<4x128xi32, #tpu.memory_space<hbm>>) target(%arg7 : memref<4x128xi32, #tpu.memory_space<vmem>>) target_semaphore(%arg10 : memref<!tpu.dma_semaphore, #tpu.memory_space<semaphore_mem>>)
    %dma_wait3A = arith.constant 0 : i32
    %dma_wait3A_12 = tpu.memref_slice %arg3[%mul3A_4, %dma_wait3A] : memref<128x128xi32, #tpu.memory_space<hbm>> -> memref<4x128xi32, #tpu.memory_space<hbm>>
    %dma_wait3A_13 = arith.constant 0 : i32
    %dma_wait3A_14 = tpu.memref_slice %arg3[%mul3A_4, %dma_wait3A_13] : memref<128x128xi32, #tpu.memory_space<hbm>> -> memref<4x128xi32, #tpu.memory_space<hbm>>
    tpu.wait_dma2 semaphore(%arg10 : memref<!tpu.dma_semaphore, #tpu.memory_space<semaphore_mem>>) src(%dma_wait3A_14 : memref<4x128xi32, #tpu.memory_space<hbm>>) dst(%arg6 : memref<4x128xi32, #tpu.memory_space<vmem>>)
    %dma_wait3A_15 = arith.constant 0 : i32
    %dma_wait3A_16 = tpu.memref_slice %arg4[%mul3A_4, %dma_wait3A_15] : memref<128x128xi32, #tpu.memory_space<hbm>> -> memref<4x128xi32, #tpu.memory_space<hbm>>
    %dma_wait3A_17 = arith.constant 0 : i32
    %dma_wait3A_18 = tpu.memref_slice %arg4[%mul3A_4, %dma_wait3A_17] : memref<128x128xi32, #tpu.memory_space<hbm>> -> memref<4x128xi32, #tpu.memory_space<hbm>>
    tpu.wait_dma2 semaphore(%arg10 : memref<!tpu.dma_semaphore, #tpu.memory_space<semaphore_mem>>) src(%dma_wait3A_18 : memref<4x128xi32, #tpu.memory_space<hbm>>) dst(%arg7 : memref<4x128xi32, #tpu.memory_space<vmem>>)
    %get3A = arith.constant 0 : i32
    %get3A_19 = arith.index_cast %get3A : i32 to index
    %get3A_20 = arith.constant 0 : index
    %get3A_21 = tpu.vector_load %arg6[%get3A_19, %get3A_20] {strides = array<i32>} : memref<4x128xi32, #tpu.memory_space<vmem>>, vector<1x16xi32>,
    %get3A_22 = vector.shape_cast %get3A_21 : vector<1x16xi32> to vector<16xi32>
    %mul3A_23 = arith.constant 51 : i32
    %mul3A_24 = vector.broadcast %mul3A_23 : i32 to vector<16xi32>
    %mul3A_25 = arith.muli %get3A_22, %mul3A_24 : vector<16xi32>
    %get3A_26 = arith.constant 0 : i32
    %get3A_27 = arith.index_cast %get3A_26 : i32 to index
    %get3A_28 = arith.constant 0 : index
    %get3A_29 = tpu.vector_load %arg7[%get3A_27, %get3A_28] {strides = array<i32>} : memref<4x128xi32, #tpu.memory_space<vmem>>, vector<1x16xi32>,
    %get3A_30 = vector.shape_cast %get3A_29 : vector<1x16xi32> to vector<16xi32>
    %add3A_31 = arith.addi %mul3A_25, %get3A_30 : vector<16xi32>
    %swap3A = arith.constant 0 : i32
    %swap3A_32 = arith.index_cast %swap3A : i32 to index
    %swap3A_33 = arith.constant 0 : index
    %swap3A_34 = tpu.vector_load %arg8[%swap3A_32, %swap3A_33] {strides = array<i32>} : memref<4x128xi32, #tpu.memory_space<vmem>>, vector<1x16xi32>,
    %swap3A_35 = vector.shape_cast %swap3A_34 : vector<1x16xi32> to vector<16xi32>
    %swap3A_36 = vector.shape_cast %add3A_31 : vector<16xi32> to vector<1x16xi32>
    tpu.vector_store %arg8[%swap3A_32, %swap3A_33], %swap3A_36 {strides = array<i32>} : memref<4x128xi32, #tpu.memory_space<vmem>>, vector<1x16xi32>,
    %get3A_37 = arith.constant 0 : i32
    %get3A_38 = arith.index_cast %get3A_37 : i32 to index
    %get3A_39 = arith.constant 16 : index
    %get3A_40 = tpu.vector_load %arg6[%get3A_38, %get3A_39] {strides = array<i32>} : memref<4x128xi32, #tpu.memory_space<vmem>>, vector<1x16xi32>,
    %get3A_41 = vector.shape_cast %get3A_40 : vector<1x16xi32> to vector<16xi32>
    %mul3A_42 = arith.constant 51 : i32
    %mul3A_43 = vector.broadcast %mul3A_42 : i32 to vector<16xi32>
    %mul3A_44 = arith.muli %get3A_41, %mul3A_43 : vector<16xi32>
    %get3A_45 = arith.constant 0 : i32
    %get3A_46 = arith.index_cast %get3A_45 : i32 to index
    %get3A_47 = arith.constant 16 : index
    %get3A_48 = tpu.vector_load %arg7[%get3A_46, %get3A_47] {strides = array<i32>} : memref<4x128xi32, #tpu.memory_space<vmem>>, vector<1x16xi32>,
    %get3A_49 = vector.shape_cast %get3A_48 : vector<1x16xi32> to vector<16xi32>
    %add3A_50 = arith.addi %mul3A_44, %get3A_49 : vector<16xi32>
    %swap3A_51 = arith.constant 0 : i32
    %swap3A_52 = arith.index_cast %swap3A_51 : i32 to index
    %swap3A_53 = arith.constant 16 : index
    %swap3A_54 = tpu.vector_load %arg8[%swap3A_52, %swap3A_53] {strides = array<i32>} : memref<4x128xi32, #tpu.memory_space<vmem>>, vector<1x16xi32>,
    %swap3A_55 = vector.shape_cast %swap3A_54 : vector<1x16xi32> to vector<16xi32>
    %swap3A_56 = vector.shape_cast %add3A_50 : vector<16xi32> to vector<1x16xi32>
    tpu.vector_store %arg8[%swap3A_52, %swap3A_53], %swap3A_56 {strides = array<i32>} : memref<4x128xi32, #tpu.memory_space<vmem>>, vector<1x16xi32>,
    %get3A_57 = arith.constant 0 : i32
    %get3A_58 = arith.index_cast %get3A_57 : i32 to index
    %get3A_59 = arith.constant 32 : index
    %get3A_60 = tpu.vector_load %arg6[%get3A_58, %get3A_59] {strides = array<i32>} : memref<4x128xi32, #tpu.memory_space<vmem>>, vector<1x16xi32>,
    %get3A_61 = vector.shape_cast %get3A_60 : vector<1x16xi32> to vector<16xi32>
    %mul3A_62 = arith.constant 51 : i32
    %mul3A_63 = vector.broadcast %mul3A_62 : i32 to vector<16xi32>
    %mul3A_64 = arith.muli %get3A_61, %mul3A_63 : vector<16xi32>
    %get3A_65 = arith.constant 0 : i32
    %get3A_66 = arith.index_cast %get3A_65 : i32 to index
    %get3A_67 = arith.constant 32 : index
    %get3A_68 = tpu.vector_load %arg7[%get3A_66, %get3A_67] {strides = array<i32>} : memref<4x128xi32, #tpu.memory_space<vmem>>, vector<1x16xi32>,
    %get3A_69 = vector.shape_cast %get3A_68 : vector<1x16xi32> to vector<16xi32>
    %add3A_70 = arith.addi %mul3A_64, %get3A_69 : vector<16xi32>
    %swap3A_71 = arith.constant 0 : i32
    %swap3A_72 = arith.index_cast %swap3A_71 : i32 to index
    %swap3A_73 = arith.constant 32 : index
    %swap3A_74 = tpu.vector_load %arg8[%swap3A_72, %swap3A_73] {strides = array<i32>} : memref<4x128xi32, #tpu.memory_space<vmem>>, vector<1x16xi32>,
    %swap3A_75 = vector.shape_cast %swap3A_74 : vector<1x16xi32> to vector<16xi32>
    %swap3A_76 = vector.shape_cast %add3A_70 : vector<16xi32> to vector<1x16xi32>
    tpu.vector_store %arg8[%swap3A_72, %swap3A_73], %swap3A_76 {strides = array<i32>} : memref<4x128xi32, #tpu.memory_space<vmem>>, vector<1x16xi32>,
    %get3A_77 = arith.constant 0 : i32
    %get3A_78 = arith.index_cast %get3A_77 : i32 to index
    %get3A_79 = arith.constant 48 : index
    %get3A_80 = tpu.vector_load %arg6[%get3A_78, %get3A_79] {strides = array<i32>} : memref<4x128xi32, #tpu.memory_space<vmem>>, vector<1x16xi32>,
    %get3A_81 = vector.shape_cast %get3A_80 : vector<1x16xi32> to vector<16xi32>
    %mul3A_82 = arith.constant 51 : i32
    %mul3A_83 = vector.broadcast %mul3A_82 : i32 to vector<16xi32>
    %mul3A_84 = arith.muli %get3A_81, %mul3A_83 : vector<16xi32>
    %get3A_85 = arith.constant 0 : i32
    %get3A_86 = arith.index_cast %get3A_85 : i32 to index
    %get3A_87 = arith.constant 48 : index
    %get3A_88 = tpu.vector_load %arg7[%get3A_86, %get3A_87] {strides = array<i32>} : memref<4x128xi32, #tpu.memory_space<vmem>>, vector<1x16xi32>,
    %get3A_89 = vector.shape_cast %get3A_88 : vector<1x16xi32> to vector<16xi32>
    %add3A_90 = arith.addi %mul3A_84, %get3A_89 : vector<16xi32>
    %swap3A_91 = arith.constant 0 : i32
    %swap3A_92 = arith.index_cast %swap3A_91 : i32 to index
    %swap3A_93 = arith.constant 48 : index
    %swap3A_94 = tpu.vector_load %arg8[%swap3A_92, %swap3A_93] {strides = array<i32>} : memref<4x128xi32, #tpu.memory_space<vmem>>, vector<1x16xi32>,
    %swap3A_95 = vector.shape_cast %swap3A_94 : vector<1x16xi32> to vector<16xi32>
    %swap3A_96 = vector.shape_cast %add3A_90 : vector<16xi32> to vector<1x16xi32>
    tpu.vector_store %arg8[%swap3A_92, %swap3A_93], %swap3A_96 {strides = array<i32>} : memref<4x128xi32, #tpu.memory_space<vmem>>, vector<1x16xi32>,
    %get3A_97 = arith.constant 0 : i32
    %get3A_98 = arith.index_cast %get3A_97 : i32 to index
    %get3A_99 = arith.constant 64 : index
    %get3A_100 = tpu.vector_load %arg6[%get3A_98, %get3A_99] {strides = array<i32>} : memref<4x128xi32, #tpu.memory_space<vmem>>, vector<1x16xi32>,
    %get3A_101 = vector.shape_cast %get3A_100 : vector<1x16xi32> to vector<16xi32>
    %mul3A_102 = arith.constant 51 : i32
    %mul3A_103 = vector.broadcast %mul3A_102 : i32 to vector<16xi32>
    %mul3A_104 = arith.muli %get3A_101, %mul3A_103 : vector<16xi32>
    %get3A_105 = arith.constant 0 : i32
    %get3A_106 = arith.index_cast %get3A_105 : i32 to index
    %get3A_107 = arith.constant 64 : index
    %get3A_108 = tpu.vector_load %arg7[%get3A_106, %get3A_107] {strides = array<i32>} : memref<4x128xi32, #tpu.memory_space<vmem>>, vector<1x16xi32>,
    %get3A_109 = vector.shape_cast %get3A_108 : vector<1x16xi32> to vector<16xi32>
    %add3A_110 = arith.addi %mul3A_104, %get3A_109 : vector<16xi32>
    %swap3A_111 = arith.constant 0 : i32
    %swap3A_112 = arith.index_cast %swap3A_111 : i32 to index
    %swap3A_113 = arith.constant 64 : index
    %swap3A_114 = tpu.vector_load %arg8[%swap3A_112, %swap3A_113] {strides = array<i32>} : memref<4x128xi32, #tpu.memory_space<vmem>>, vector<1x16xi32>,
    %swap3A_115 = vector.shape_cast %swap3A_114 : vector<1x16xi32> to vector<16xi32>
    %swap3A_116 = vector.shape_cast %add3A_110 : vector<16xi32> to vector<1x16xi32>
    tpu.vector_store %arg8[%swap3A_112, %swap3A_113], %swap3A_116 {strides = array<i32>} : memref<4x128xi32, #tpu.memory_space<vmem>>, vector<1x16xi32>,
    %get3A_117 = arith.constant 0 : i32
    %get3A_118 = arith.index_cast %get3A_117 : i32 to index
    %get3A_119 = arith.constant 80 : index
    %get3A_120 = tpu.vector_load %arg6[%get3A_118, %get3A_119] {strides = array<i32>} : memref<4x128xi32, #tpu.memory_space<vmem>>, vector<1x16xi32>,
    %get3A_121 = vector.shape_cast %get3A_120 : vector<1x16xi32> to vector<16xi32>
    %mul3A_122 = arith.constant 51 : i32
    %mul3A_123 = vector.broadcast %mul3A_122 : i32 to vector<16xi32>
    %mul3A_124 = arith.muli %get3A_121, %mul3A_123 : vector<16xi32>
    %get3A_125 = arith.constant 0 : i32
    %get3A_126 = arith.index_cast %get3A_125 : i32 to index
    %get3A_127 = arith.constant 80 : index
    %get3A_128 = tpu.vector_load %arg7[%get3A_126, %get3A_127] {strides = array<i32>} : memref<4x128xi32, #tpu.memory_space<vmem>>, vector<1x16xi32>,
    %get3A_129 = vector.shape_cast %get3A_128 : vector<1x16xi32> to vector<16xi32>
    %add3A_130 = arith.addi %mul3A_124, %get3A_129 : vector<16xi32>
    %swap3A_131 = arith.constant 0 : i32
    %swap3A_132 = arith.index_cast %swap3A_131 : i32 to index
    %swap3A_133 = arith.constant 80 : index
    %swap3A_134 = tpu.vector_load %arg8[%swap3A_132, %swap3A_133] {strides = array<i32>} : memref<4x128xi32, #tpu.memory_space<vmem>>, vector<1x16xi32>,
    %swap3A_135 = vector.shape_cast %swap3A_134 : vector<1x16xi32> to vector<16xi32>
    %swap3A_136 = vector.shape_cast %add3A_130 : vector<16xi32> to vector<1x16xi32>
    tpu.vector_store %arg8[%swap3A_132, %swap3A_133], %swap3A_136 {strides = array<i32>} : memref<4x128xi32, #tpu.memory_space<vmem>>, vector<1x16xi32>,
    %get3A_137 = arith.constant 0 : i32
    %get3A_138 = arith.index_cast %get3A_137 : i32 to index
    %get3A_139 = arith.constant 96 : index
    %get3A_140 = tpu.vector_load %arg6[%get3A_138, %get3A_139] {strides = array<i32>} : memref<4x128xi32, #tpu.memory_space<vmem>>, vector<1x16xi32>,
    %get3A_141 = vector.shape_cast %get3A_140 : vector<1x16xi32> to vector<16xi32>
    %mul3A_142 = arith.constant 51 : i32
    %mul3A_143 = vector.broadcast %mul3A_142 : i32 to vector<16xi32>
    %mul3A_144 = arith.muli %get3A_141, %mul3A_143 : vector<16xi32>
    %get3A_145 = arith.constant 0 : i32
    %get3A_146 = arith.index_cast %get3A_145 : i32 to index
    %get3A_147 = arith.constant 96 : index
    %get3A_148 = tpu.vector_load %arg7[%get3A_146, %get3A_147] {strides = array<i32>} : memref<4x128xi32, #tpu.memory_space<vmem>>, vector<1x16xi32>,
    %get3A_149 = vector.shape_cast %get3A_148 : vector<1x16xi32> to vector<16xi32>
    %add3A_150 = arith.addi %mul3A_144, %get3A_149 : vector<16xi32>
    %swap3A_151 = arith.constant 0 : i32
    %swap3A_152 = arith.index_cast %swap3A_151 : i32 to index
    %swap3A_153 = arith.constant 96 : index
    %swap3A_154 = tpu.vector_load %arg8[%swap3A_152, %swap3A_153] {strides = array<i32>} : memref<4x128xi32, #tpu.memory_space<vmem>>, vector<1x16xi32>,
    %swap3A_155 = vector.shape_cast %swap3A_154 : vector<1x16xi32> to vector<16xi32>
    %swap3A_156 = vector.shape_cast %add3A_150 : vector<16xi32> to vector<1x16xi32>
    tpu.vector_store %arg8[%swap3A_152, %swap3A_153], %swap3A_156 {strides = array<i32>} : memref<4x128xi32, #tpu.memory_space<vmem>>, vector<1x16xi32>,
    %get3A_157 = arith.constant 0 : i32
    %get3A_158 = arith.index_cast %get3A_157 : i32 to index
    %get3A_159 = arith.constant 112 : index
    %get3A_160 = tpu.vector_load %arg6[%get3A_158, %get3A_159] {strides = array<i32>} : memref<4x128xi32, #tpu.memory_space<vmem>>, vector<1x16xi32>,
    %get3A_161 = vector.shape_cast %get3A_160 : vector<1x16xi32> to vector<16xi32>
    %mul3A_162 = arith.constant 51 : i32
    %mul3A_163 = vector.broadcast %mul3A_162 : i32 to vector<16xi32>
    %mul3A_164 = arith.muli %get3A_161, %mul3A_163 : vector<16xi32>
    %get3A_165 = arith.constant 0 : i32
    %get3A_166 = arith.index_cast %get3A_165 : i32 to index
    %get3A_167 = arith.constant 112 : index
    %get3A_168 = tpu.vector_load %arg7[%get3A_166, %get3A_167] {strides = array<i32>} : memref<4x128xi32, #tpu.memory_space<vmem>>, vector<1x16xi32>,
    %get3A_169 = vector.shape_cast %get3A_168 : vector<1x16xi32> to vector<16xi32>
    %add3A_170 = arith.addi %mul3A_164, %get3A_169 : vector<16xi32>
    %swap3A_171 = arith.constant 0 : i32
    %swap3A_172 = arith.index_cast %swap3A_171 : i32 to index
    %swap3A_173 = arith.constant 112 : index
    %swap3A_174 = tpu.vector_load %arg8[%swap3A_172, %swap3A_173] {strides = array<i32>} : memref<4x128xi32, #tpu.memory_space<vmem>>, vector<1x16xi32>,
    %swap3A_175 = vector.shape_cast %swap3A_174 : vector<1x16xi32> to vector<16xi32>
    %swap3A_176 = vector.shape_cast %add3A_170 : vector<16xi32> to vector<1x16xi32>
    tpu.vector_store %arg8[%swap3A_172, %swap3A_173], %swap3A_176 {strides = array<i32>} : memref<4x128xi32, #tpu.memory_space<vmem>>, vector<1x16xi32>,
    %get3A_177 = arith.constant 1 : i32
    %get3A_178 = arith.index_cast %get3A_177 : i32 to index
    %get3A_179 = arith.constant 0 : index
    %get3A_180 = tpu.vector_load %arg6[%get3A_178, %get3A_179] {strides = array<i32>} : memref<4x128xi32, #tpu.memory_space<vmem>>, vector<1x16xi32>,
    %get3A_181 = vector.shape_cast %get3A_180 : vector<1x16xi32> to vector<16xi32>
    %mul3A_182 = arith.constant 51 : i32
    %mul3A_183 = vector.broadcast %mul3A_182 : i32 to vector<16xi32>
    %mul3A_184 = arith.muli %get3A_181, %mul3A_183 : vector<16xi32>
    %get3A_185 = arith.constant 1 : i32
    %get3A_186 = arith.index_cast %get3A_185 : i32 to index
    %get3A_187 = arith.constant 0 : index
    %get3A_188 = tpu.vector_load %arg7[%get3A_186, %get3A_187] {strides = array<i32>} : memref<4x128xi32, #tpu.memory_space<vmem>>, vector<1x16xi32>,
    %get3A_189 = vector.shape_cast %get3A_188 : vector<1x16xi32> to vector<16xi32>
    %add3A_190 = arith.addi %mul3A_184, %get3A_189 : vector<16xi32>
    %swap3A_191 = arith.constant 1 : i32
    %swap3A_192 = arith.index_cast %swap3A_191 : i32 to index
    %swap3A_193 = arith.constant 0 : index
    %swap3A_194 = tpu.vector_load %arg8[%swap3A_192, %swap3A_193] {strides = array<i32>} : memref<4x128xi32, #tpu.memory_space<vmem>>, vector<1x16xi32>,
    %swap3A_195 = vector.shape_cast %swap3A_194 : vector<1x16xi32> to vector<16xi32>
    %swap3A_196 = vector.shape_cast %add3A_190 : vector<16xi32> to vector<1x16xi32>
    tpu.vector_store %arg8[%swap3A_192, %swap3A_193], %swap3A_196 {strides = array<i32>} : memref<4x128xi32, #tpu.memory_space<vmem>>, vector<1x16xi32>,
    %get3A_197 = arith.constant 1 : i32
    %get3A_198 = arith.index_cast %get3A_197 : i32 to index
    %get3A_199 = arith.constant 16 : index
    %get3A_200 = tpu.vector_load %arg6[%get3A_198, %get3A_199] {strides = array<i32>} : memref<4x128xi32, #tpu.memory_space<vmem>>, vector<1x16xi32>,
    %get3A_201 = vector.shape_cast %get3A_200 : vector<1x16xi32> to vector<16xi32>
    %mul3A_202 = arith.constant 51 : i32
    %mul3A_203 = vector.broadcast %mul3A_202 : i32 to vector<16xi32>
    %mul3A_204 = arith.muli %get3A_201, %mul3A_203 : vector<16xi32>
    %get3A_205 = arith.constant 1 : i32
    %get3A_206 = arith.index_cast %get3A_205 : i32 to index
    %get3A_207 = arith.constant 16 : index
    %get3A_208 = tpu.vector_load %arg7[%get3A_206, %get3A_207] {strides = array<i32>} : memref<4x128xi32, #tpu.memory_space<vmem>>, vector<1x16xi32>,
    %get3A_209 = vector.shape_cast %get3A_208 : vector<1x16xi32> to vector<16xi32>
    %add3A_210 = arith.addi %mul3A_204, %get3A_209 : vector<16xi32>
    %swap3A_211 = arith.constant 1 : i32
    %swap3A_212 = arith.index_cast %swap3A_211 : i32 to index
    %swap3A_213 = arith.constant 16 : index
    %swap3A_214 = tpu.vector_load %arg8[%swap3A_212, %swap3A_213] {strides = array<i32>} : memref<4x128xi32, #tpu.memory_space<vmem>>, vector<1x16xi32>,
    %swap3A_215 = vector.shape_cast %swap3A_214 : vector<1x16xi32> to vector<16xi32>
    %swap3A_216 = vector.shape_cast %add3A_210 : vector<16xi32> to vector<1x16xi32>
    tpu.vector_store %arg8[%swap3A_212, %swap3A_213], %swap3A_216 {strides = array<i32>} : memref<4x128xi32, #tpu.memory_space<vmem>>, vector<1x16xi32>,
    %get3A_217 = arith.constant 1 : i32
    %get3A_218 = arith.index_cast %get3A_217 : i32 to index
    %get3A_219 = arith.constant 32 : index
    %get3A_220 = tpu.vector_load %arg6[%get3A_218, %get3A_219] {strides = array<i32>} : memref<4x128xi32, #tpu.memory_space<vmem>>, vector<1x16xi32>,
    %get3A_221 = vector.shape_cast %get3A_220 : vector<1x16xi32> to vector<16xi32>
    %mul3A_222 = arith.constant 51 : i32
    %mul3A_223 = vector.broadcast %mul3A_222 : i32 to vector<16xi32>
    %mul3A_224 = arith.muli %get3A_221, %mul3A_223 : vector<16xi32>
    %get3A_225 = arith.constant 1 : i32
    %get3A_226 = arith.index_cast %get3A_225 : i32 to index
    %get3A_227 = arith.constant 32 : index
    %get3A_228 = tpu.vector_load %arg7[%get3A_226, %get3A_227] {strides = array<i32>} : memref<4x128xi32, #tpu.memory_space<vmem>>, vector<1x16xi32>,
    %get3A_229 = vector.shape_cast %get3A_228 : vector<1x16xi32> to vector<16xi32>
    %add3A_230 = arith.addi %mul3A_224, %get3A_229 : vector<16xi32>
    %swap3A_231 = arith.constant 1 : i32
    %swap3A_232 = arith.index_cast %swap3A_231 : i32 to index
    %swap3A_233 = arith.constant 32 : index
    %swap3A_234 = tpu.vector_load %arg8[%swap3A_232, %swap3A_233] {strides = array<i32>} : memref<4x128xi32, #tpu.memory_space<vmem>>, vector<1x16xi32>,
    %swap3A_235 = vector.shape_cast %swap3A_234 : vector<1x16xi32> to vector<16xi32>
    %swap3A_236 = vector.shape_cast %add3A_230 : vector<16xi32> to vector<1x16xi32>
    tpu.vector_store %arg8[%swap3A_232, %swap3A_233], %swap3A_236 {strides = array<i32>} : memref<4x128xi32, #tpu.memory_space<vmem>>, vector<1x16xi32>,
    %get3A_237 = arith.constant 1 : i32
    %get3A_238 = arith.index_cast %get3A_237 : i32 to index
    %get3A_239 = arith.constant 48 : index
    %get3A_240 = tpu.vector_load %arg6[%get3A_238, %get3A_239] {strides = array<i32>} : memref<4x128xi32, #tpu.memory_space<vmem>>, vector<1x16xi32>,
    %get3A_241 = vector.shape_cast %get3A_240 : vector<1x16xi32> to vector<16xi32>
    %mul3A_242 = arith.constant 51 : i32
    %mul3A_243 = vector.broadcast %mul3A_242 : i32 to vector<16xi32>
    %mul3A_244 = arith.muli %get3A_241, %mul3A_243 : vector<16xi32>
    %get3A_245 = arith.constant 1 : i32
    %get3A_246 = arith.index_cast %get3A_245 : i32 to index
    %get3A_247 = arith.constant 48 : index
    %get3A_248 = tpu.vector_load %arg7[%get3A_246, %get3A_247] {strides = array<i32>} : memref<4x128xi32, #tpu.memory_space<vmem>>, vector<1x16xi32>,
    %get3A_249 = vector.shape_cast %get3A_248 : vector<1x16xi32> to vector<16xi32>
    %add3A_250 = arith.addi %mul3A_244, %get3A_249 : vector<16xi32>
    %swap3A_251 = arith.constant 1 : i32
    %swap3A_252 = arith.index_cast %swap3A_251 : i32 to index
    %swap3A_253 = arith.constant 48 : index
    %swap3A_254 = tpu.vector_load %arg8[%swap3A_252, %swap3A_253] {strides = array<i32>} : memref<4x128xi32, #tpu.memory_space<vmem>>, vector<1x16xi32>,
    %swap3A_255 = vector.shape_cast %swap3A_254 : vector<1x16xi32> to vector<16xi32>
    %swap3A_256 = vector.shape_cast %add3A_250 : vector<16xi32> to vector<1x16xi32>
    tpu.vector_store %arg8[%swap3A_252, %swap3A_253], %swap3A_256 {strides = array<i32>} : memref<4x128xi32, #tpu.memory_space<vmem>>, vector<1x16xi32>,
    %get3A_257 = arith.constant 1 : i32
    %get3A_258 = arith.index_cast %get3A_257 : i32 to index
    %get3A_259 = arith.constant 64 : index
    %get3A_260 = tpu.vector_load %arg6[%get3A_258, %get3A_259] {strides = array<i32>} : memref<4x128xi32, #tpu.memory_space<vmem>>, vector<1x16xi32>,
    %get3A_261 = vector.shape_cast %get3A_260 : vector<1x16xi32> to vector<16xi32>
    %mul3A_262 = arith.constant 51 : i32
    %mul3A_263 = vector.broadcast %mul3A_262 : i32 to vector<16xi32>
    %mul3A_264 = arith.muli %get3A_261, %mul3A_263 : vector<16xi32>
    %get3A_265 = arith.constant 1 : i32
    %get3A_266 = arith.index_cast %get3A_265 : i32 to index
    %get3A_267 = arith.constant 64 : index
    %get3A_268 = tpu.vector_load %arg7[%get3A_266, %get3A_267] {strides = array<i32>} : memref<4x128xi32, #tpu.memory_space<vmem>>, vector<1x16xi32>,
    %get3A_269 = vector.shape_cast %get3A_268 : vector<1x16xi32> to vector<16xi32>
    %add3A_270 = arith.addi %mul3A_264, %get3A_269 : vector<16xi32>
    %swap3A_271 = arith.constant 1 : i32
    %swap3A_272 = arith.index_cast %swap3A_271 : i32 to index
    %swap3A_273 = arith.constant 64 : index
    %swap3A_274 = tpu.vector_load %arg8[%swap3A_272, %swap3A_273] {strides = array<i32>} : memref<4x128xi32, #tpu.memory_space<vmem>>, vector<1x16xi32>,
    %swap3A_275 = vector.shape_cast %swap3A_274 : vector<1x16xi32> to vector<16xi32>
    %swap3A_276 = vector.shape_cast %add3A_270 : vector<16xi32> to vector<1x16xi32>
    tpu.vector_store %arg8[%swap3A_272, %swap3A_273], %swap3A_276 {strides = array<i32>} : memref<4x128xi32, #tpu.memory_space<vmem>>, vector<1x16xi32>,
    %get3A_277 = arith.constant 1 : i32
    %get3A_278 = arith.index_cast %get3A_277 : i32 to index
    %get3A_279 = arith.constant 80 : index
    %get3A_280 = tpu.vector_load %arg6[%get3A_278, %get3A_279] {strides = array<i32>} : memref<4x128xi32, #tpu.memory_space<vmem>>, vector<1x16xi32>,
    %get3A_281 = vector.shape_cast %get3A_280 : vector<1x16xi32> to vector<16xi32>
    %mul3A_282 = arith.constant 51 : i32
    %mul3A_283 = vector.broadcast %mul3A_282 : i32 to vector<16xi32>
    %mul3A_284 = arith.muli %get3A_281, %mul3A_283 : vector<16xi32>
    %get3A_285 = arith.constant 1 : i32
    %get3A_286 = arith.index_cast %get3A_285 : i32 to index
    %get3A_287 = arith.constant 80 : index
    %get3A_288 = tpu.vector_load %arg7[%get3A_286, %get3A_287] {strides = array<i32>} : memref<4x128xi32, #tpu.memory_space<vmem>>, vector<1x16xi32>,
    %get3A_289 = vector.shape_cast %get3A_288 : vector<1x16xi32> to vector<16xi32>
    %add3A_290 = arith.addi %mul3A_284, %get3A_289 : vector<16xi32>
    %swap3A_291 = arith.constant 1 : i32
    %swap3A_292 = arith.index_cast %swap3A_291 : i32 to index
    %swap3A_293 = arith.constant 80 : index
    %swap3A_294 = tpu.vector_load %arg8[%swap3A_292, %swap3A_293] {strides = array<i32>} : memref<4x128xi32, #tpu.memory_space<vmem>>, vector<1x16xi32>,
    %swap3A_295 = vector.shape_cast %swap3A_294 : vector<1x16xi32> to vector<16xi32>
    %swap3A_296 = vector.shape_cast %add3A_290 : vector<16xi32> to vector<1x16xi32>
    tpu.vector_store %arg8[%swap3A_292, %swap3A_293], %swap3A_296 {strides = array<i32>} : memref<4x128xi32, #tpu.memory_space<vmem>>, vector<1x16xi32>,
    %get3A_297 = arith.constant 1 : i32
    %get3A_298 = arith.index_cast %get3A_297 : i32 to index
    %get3A_299 = arith.constant 96 : index
    %get3A_300 = tpu.vector_load %arg6[%get3A_298, %get3A_299] {strides = array<i32>} : memref<4x128xi32, #tpu.memory_space<vmem>>, vector<1x16xi32>,
    %get3A_301 = vector.shape_cast %get3A_300 : vector<1x16xi32> to vector<16xi32>
    %mul3A_302 = arith.constant 51 : i32
    %mul3A_303 = vector.broadcast %mul3A_302 : i32 to vector<16xi32>
    %mul3A_304 = arith.muli %get3A_301, %mul3A_303 : vector<16xi32>
    %get3A_305 = arith.constant 1 : i32
    %get3A_306 = arith.index_cast %get3A_305 : i32 to index
    %get3A_307 = arith.constant 96 : index
    %get3A_308 = tpu.vector_load %arg7[%get3A_306, %get3A_307] {strides = array<i32>} : memref<4x128xi32, #tpu.memory_space<vmem>>, vector<1x16xi32>,
    %get3A_309 = vector.shape_cast %get3A_308 : vector<1x16xi32> to vector<16xi32>
    %add3A_310 = arith.addi %mul3A_304, %get3A_309 : vector<16xi32>
    %swap3A_311 = arith.constant 1 : i32
    %swap3A_312 = arith.index_cast %swap3A_311 : i32 to index
    %swap3A_313 = arith.constant 96 : index
    %swap3A_314 = tpu.vector_load %arg8[%swap3A_312, %swap3A_313] {strides = array<i32>} : memref<4x128xi32, #tpu.memory_space<vmem>>, vector<1x16xi32>,
    %swap3A_315 = vector.shape_cast %swap3A_314 : vector<1x16xi32> to vector<16xi32>
    %swap3A_316 = vector.shape_cast %add3A_310 : vector<16xi32> to vector<1x16xi32>
    tpu.vector_store %arg8[%swap3A_312, %swap3A_313], %swap3A_316 {strides = array<i32>} : memref<4x128xi32, #tpu.memory_space<vmem>>, vector<1x16xi32>,
    %get3A_317 = arith.constant 1 : i32
    %get3A_318 = arith.index_cast %get3A_317 : i32 to index
    %get3A_319 = arith.constant 112 : index
    %get3A_320 = tpu.vector_load %arg6[%get3A_318, %get3A_319] {strides = array<i32>} : memref<4x128xi32, #tpu.memory_space<vmem>>, vector<1x16xi32>,
    %get3A_321 = vector.shape_cast %get3A_320 : vector<1x16xi32> to vector<16xi32>
    %mul3A_322 = arith.constant 51 : i32
    %mul3A_323 = vector.broadcast %mul3A_322 : i32 to vector<16xi32>
    %mul3A_324 = arith.muli %get3A_321, %mul3A_323 : vector<16xi32>
    %get3A_325 = arith.constant 1 : i32
    %get3A_326 = arith.index_cast %get3A_325 : i32 to index
    %get3A_327 = arith.constant 112 : index
    %get3A_328 = tpu.vector_load %arg7[%get3A_326, %get3A_327] {strides = array<i32>} : memref<4x128xi32, #tpu.memory_space<vmem>>, vector<1x16xi32>,
    %get3A_329 = vector.shape_cast %get3A_328 : vector<1x16xi32> to vector<16xi32>
    %add3A_330 = arith.addi %mul3A_324, %get3A_329 : vector<16xi32>
    %swap3A_331 = arith.constant 1 : i32
    %swap3A_332 = arith.index_cast %swap3A_331 : i32 to index
    %swap3A_333 = arith.constant 112 : index
    %swap3A_334 = tpu.vector_load %arg8[%swap3A_332, %swap3A_333] {strides = array<i32>} : memref<4x128xi32, #tpu.memory_space<vmem>>, vector<1x16xi32>,
    %swap3A_335 = vector.shape_cast %swap3A_334 : vector<1x16xi32> to vector<16xi32>
    %swap3A_336 = vector.shape_cast %add3A_330 : vector<16xi32> to vector<1x16xi32>
    tpu.vector_store %arg8[%swap3A_332, %swap3A_333], %swap3A_336 {strides = array<i32>} : memref<4x128xi32, #tpu.memory_space<vmem>>, vector<1x16xi32>,
    %get3A_337 = arith.constant 2 : i32
    %get3A_338 = arith.index_cast %get3A_337 : i32 to index
    %get3A_339 = arith.constant 0 : index
    %get3A_340 = tpu.vector_load %arg6[%get3A_338, %get3A_339] {strides = array<i32>} : memref<4x128xi32, #tpu.memory_space<vmem>>, vector<1x16xi32>,
    %get3A_341 = vector.shape_cast %get3A_340 : vector<1x16xi32> to vector<16xi32>
    %mul3A_342 = arith.constant 51 : i32
    %mul3A_343 = vector.broadcast %mul3A_342 : i32 to vector<16xi32>
    %mul3A_344 = arith.muli %get3A_341, %mul3A_343 : vector<16xi32>
    %get3A_345 = arith.constant 2 : i32
    %get3A_346 = arith.index_cast %get3A_345 : i32 to index
    %get3A_347 = arith.constant 0 : index
    %get3A_348 = tpu.vector_load %arg7[%get3A_346, %get3A_347] {strides = array<i32>} : memref<4x128xi32, #tpu.memory_space<vmem>>, vector<1x16xi32>,
    %get3A_349 = vector.shape_cast %get3A_348 : vector<1x16xi32> to vector<16xi32>
    %add3A_350 = arith.addi %mul3A_344, %get3A_349 : vector<16xi32>
    %swap3A_351 = arith.constant 2 : i32
    %swap3A_352 = arith.index_cast %swap3A_351 : i32 to index
    %swap3A_353 = arith.constant 0 : index
    %swap3A_354 = tpu.vector_load %arg8[%swap3A_352, %swap3A_353] {strides = array<i32>} : memref<4x128xi32, #tpu.memory_space<vmem>>, vector<1x16xi32>,
    %swap3A_355 = vector.shape_cast %swap3A_354 : vector<1x16xi32> to vector<16xi32>
    %swap3A_356 = vector.shape_cast %add3A_350 : vector<16xi32> to vector<1x16xi32>
    tpu.vector_store %arg8[%swap3A_352, %swap3A_353], %swap3A_356 {strides = array<i32>} : memref<4x128xi32, #tpu.memory_space<vmem>>, vector<1x16xi32>,
    %get3A_357 = arith.constant 2 : i32
    %get3A_358 = arith.index_cast %get3A_357 : i32 to index
    %get3A_359 = arith.constant 16 : index
    %get3A_360 = tpu.vector_load %arg6[%get3A_358, %get3A_359] {strides = array<i32>} : memref<4x128xi32, #tpu.memory_space<vmem>>, vector<1x16xi32>,
    %get3A_361 = vector.shape_cast %get3A_360 : vector<1x16xi32> to vector<16xi32>
    %mul3A_362 = arith.constant 51 : i32
    %mul3A_363 = vector.broadcast %mul3A_362 : i32 to vector<16xi32>
    %mul3A_364 = arith.muli %get3A_361, %mul3A_363 : vector<16xi32>
    %get3A_365 = arith.constant 2 : i32
    %get3A_366 = arith.index_cast %get3A_365 : i32 to index
    %get3A_367 = arith.constant 16 : index
    %get3A_368 = tpu.vector_load %arg7[%get3A_366, %get3A_367] {strides = array<i32>} : memref<4x128xi32, #tpu.memory_space<vmem>>, vector<1x16xi32>,
    %get3A_369 = vector.shape_cast %get3A_368 : vector<1x16xi32> to vector<16xi32>
    %add3A_370 = arith.addi %mul3A_364, %get3A_369 : vector<16xi32>
    %swap3A_371 = arith.constant 2 : i32
    %swap3A_372 = arith.index_cast %swap3A_371 : i32 to index
    %swap3A_373 = arith.constant 16 : index
    %swap3A_374 = tpu.vector_load %arg8[%swap3A_372, %swap3A_373] {strides = array<i32>} : memref<4x128xi32, #tpu.memory_space<vmem>>, vector<1x16xi32>,
    %swap3A_375 = vector.shape_cast %swap3A_374 : vector<1x16xi32> to vector<16xi32>
    %swap3A_376 = vector.shape_cast %add3A_370 : vector<16xi32> to vector<1x16xi32>
    tpu.vector_store %arg8[%swap3A_372, %swap3A_373], %swap3A_376 {strides = array<i32>} : memref<4x128xi32, #tpu.memory_space<vmem>>, vector<1x16xi32>,
    %get3A_377 = arith.constant 2 : i32
    %get3A_378 = arith.index_cast %get3A_377 : i32 to index
    %get3A_379 = arith.constant 32 : index
    %get3A_380 = tpu.vector_load %arg6[%get3A_378, %get3A_379] {strides = array<i32>} : memref<4x128xi32, #tpu.memory_space<vmem>>, vector<1x16xi32>,
    %get3A_381 = vector.shape_cast %get3A_380 : vector<1x16xi32> to vector<16xi32>
    %mul3A_382 = arith.constant 51 : i32
    %mul3A_383 = vector.broadcast %mul3A_382 : i32 to vector<16xi32>
    %mul3A_384 = arith.muli %get3A_381, %mul3A_383 : vector<16xi32>
    %get3A_385 = arith.constant 2 : i32
    %get3A_386 = arith.index_cast %get3A_385 : i32 to index
    %get3A_387 = arith.constant 32 : index
    %get3A_388 = tpu.vector_load %arg7[%get3A_386, %get3A_387] {strides = array<i32>} : memref<4x128xi32, #tpu.memory_space<vmem>>, vector<1x16xi32>,
    %get3A_389 = vector.shape_cast %get3A_388 : vector<1x16xi32> to vector<16xi32>
    %add3A_390 = arith.addi %mul3A_384, %get3A_389 : vector<16xi32>
    %swap3A_391 = arith.constant 2 : i32
    %swap3A_392 = arith.index_cast %swap3A_391 : i32 to index
    %swap3A_393 = arith.constant 32 : index
    %swap3A_394 = tpu.vector_load %arg8[%swap3A_392, %swap3A_393] {strides = array<i32>} : memref<4x128xi32, #tpu.memory_space<vmem>>, vector<1x16xi32>,
    %swap3A_395 = vector.shape_cast %swap3A_394 : vector<1x16xi32> to vector<16xi32>
    %swap3A_396 = vector.shape_cast %add3A_390 : vector<16xi32> to vector<1x16xi32>
    tpu.vector_store %arg8[%swap3A_392, %swap3A_393], %swap3A_396 {strides = array<i32>} : memref<4x128xi32, #tpu.memory_space<vmem>>, vector<1x16xi32>,
    %get3A_397 = arith.constant 2 : i32
    %get3A_398 = arith.index_cast %get3A_397 : i32 to index
    %get3A_399 = arith.constant 48 : index
    %get3A_400 = tpu.vector_load %arg6[%get3A_398, %get3A_399] {strides = array<i32>} : memref<4x128xi32, #tpu.memory_space<vmem>>, vector<1x16xi32>,
    %get3A_401 = vector.shape_cast %get3A_400 : vector<1x16xi32> to vector<16xi32>
    %mul3A_402 = arith.constant 51 : i32
    %mul3A_403 = vector.broadcast %mul3A_402 : i32 to vector<16xi32>
    %mul3A_404 = arith.muli %get3A_401, %mul3A_403 : vector<16xi32>
    %get3A_405 = arith.constant 2 : i32
    %get3A_406 = arith.index_cast %get3A_405 : i32 to index
    %get3A_407 = arith.constant 48 : index
    %get3A_408 = tpu.vector_load %arg7[%get3A_406, %get3A_407] {strides = array<i32>} : memref<4x128xi32, #tpu.memory_space<vmem>>, vector<1x16xi32>,
    %get3A_409 = vector.shape_cast %get3A_408 : vector<1x16xi32> to vector<16xi32>
    %add3A_410 = arith.addi %mul3A_404, %get3A_409 : vector<16xi32>
    %swap3A_411 = arith.constant 2 : i32
    %swap3A_412 = arith.index_cast %swap3A_411 : i32 to index
    %swap3A_413 = arith.constant 48 : index
    %swap3A_414 = tpu.vector_load %arg8[%swap3A_412, %swap3A_413] {strides = array<i32>} : memref<4x128xi32, #tpu.memory_space<vmem>>, vector<1x16xi32>,
    %swap3A_415 = vector.shape_cast %swap3A_414 : vector<1x16xi32> to vector<16xi32>
    %swap3A_416 = vector.shape_cast %add3A_410 : vector<16xi32> to vector<1x16xi32>
    tpu.vector_store %arg8[%swap3A_412, %swap3A_413], %swap3A_416 {strides = array<i32>} : memref<4x128xi32, #tpu.memory_space<vmem>>, vector<1x16xi32>,
    %get3A_417 = arith.constant 2 : i32
    %get3A_418 = arith.index_cast %get3A_417 : i32 to index
    %get3A_419 = arith.constant 64 : index
    %get3A_420 = tpu.vector_load %arg6[%get3A_418, %get3A_419] {strides = array<i32>} : memref<4x128xi32, #tpu.memory_space<vmem>>, vector<1x16xi32>,
    %get3A_421 = vector.shape_cast %get3A_420 : vector<1x16xi32> to vector<16xi32>
    %mul3A_422 = arith.constant 51 : i32
    %mul3A_423 = vector.broadcast %mul3A_422 : i32 to vector<16xi32>
    %mul3A_424 = arith.muli %get3A_421, %mul3A_423 : vector<16xi32>
    %get3A_425 = arith.constant 2 : i32
    %get3A_426 = arith.index_cast %get3A_425 : i32 to index
    %get3A_427 = arith.constant 64 : index
    %get3A_428 = tpu.vector_load %arg7[%get3A_426, %get3A_427] {strides = array<i32>} : memref<4x128xi32, #tpu.memory_space<vmem>>, vector<1x16xi32>,
    %get3A_429 = vector.shape_cast %get3A_428 : vector<1x16xi32> to vector<16xi32>
    %add3A_430 = arith.addi %mul3A_424, %get3A_429 : vector<16xi32>
    %swap3A_431 = arith.constant 2 : i32
    %swap3A_432 = arith.index_cast %swap3A_431 : i32 to index
    %swap3A_433 = arith.constant 64 : index
    %swap3A_434 = tpu.vector_load %arg8[%swap3A_432, %swap3A_433] {strides = array<i32>} : memref<4x128xi32, #tpu.memory_space<vmem>>, vector<1x16xi32>,
    %swap3A_435 = vector.shape_cast %swap3A_434 : vector<1x16xi32> to vector<16xi32>
    %swap3A_436 = vector.shape_cast %add3A_430 : vector<16xi32> to vector<1x16xi32>
    tpu.vector_store %arg8[%swap3A_432, %swap3A_433], %swap3A_436 {strides = array<i32>} : memref<4x128xi32, #tpu.memory_space<vmem>>, vector<1x16xi32>,
    %get3A_437 = arith.constant 2 : i32
    %get3A_438 = arith.index_cast %get3A_437 : i32 to index
    %get3A_439 = arith.constant 80 : index
    %get3A_440 = tpu.vector_load %arg6[%get3A_438, %get3A_439] {strides = array<i32>} : memref<4x128xi32, #tpu.memory_space<vmem>>, vector<1x16xi32>,
    %get3A_441 = vector.shape_cast %get3A_440 : vector<1x16xi32> to vector<16xi32>
    %mul3A_442 = arith.constant 51 : i32
    %mul3A_443 = vector.broadcast %mul3A_442 : i32 to vector<16xi32>
    %mul3A_444 = arith.muli %get3A_441, %mul3A_443 : vector<16xi32>
    %get3A_445 = arith.constant 2 : i32
    %get3A_446 = arith.index_cast %get3A_445 : i32 to index
    %get3A_447 = arith.constant 80 : index
    %get3A_448 = tpu.vector_load %arg7[%get3A_446, %get3A_447] {strides = array<i32>} : memref<4x128xi32, #tpu.memory_space<vmem>>, vector<1x16xi32>,
    %get3A_449 = vector.shape_cast %get3A_448 : vector<1x16xi32> to vector<16xi32>
    %add3A_450 = arith.addi %mul3A_444, %get3A_449 : vector<16xi32>
    %swap3A_451 = arith.constant 2 : i32
    %swap3A_452 = arith.index_cast %swap3A_451 : i32 to index
    %swap3A_453 = arith.constant 80 : index
    %swap3A_454 = tpu.vector_load %arg8[%swap3A_452, %swap3A_453] {strides = array<i32>} : memref<4x128xi32, #tpu.memory_space<vmem>>, vector<1x16xi32>,
    %swap3A_455 = vector.shape_cast %swap3A_454 : vector<1x16xi32> to vector<16xi32>
    %swap3A_456 = vector.shape_cast %add3A_450 : vector<16xi32> to vector<1x16xi32>
    tpu.vector_store %arg8[%swap3A_452, %swap3A_453], %swap3A_456 {strides = array<i32>} : memref<4x128xi32, #tpu.memory_space<vmem>>, vector<1x16xi32>,
    %get3A_457 = arith.constant 2 : i32
    %get3A_458 = arith.index_cast %get3A_457 : i32 to index
    %get3A_459 = arith.constant 96 : index
    %get3A_460 = tpu.vector_load %arg6[%get3A_458, %get3A_459] {strides = array<i32>} : memref<4x128xi32, #tpu.memory_space<vmem>>, vector<1x16xi32>,
    %get3A_461 = vector.shape_cast %get3A_460 : vector<1x16xi32> to vector<16xi32>
    %mul3A_462 = arith.constant 51 : i32
    %mul3A_463 = vector.broadcast %mul3A_462 : i32 to vector<16xi32>
    %mul3A_464 = arith.muli %get3A_461, %mul3A_463 : vector<16xi32>
    %get3A_465 = arith.constant 2 : i32
    %get3A_466 = arith.index_cast %get3A_465 : i32 to index
    %get3A_467 = arith.constant 96 : index
    %get3A_468 = tpu.vector_load %arg7[%get3A_466, %get3A_467] {strides = array<i32>} : memref<4x128xi32, #tpu.memory_space<vmem>>, vector<1x16xi32>,
    %get3A_469 = vector.shape_cast %get3A_468 : vector<1x16xi32> to vector<16xi32>
    %add3A_470 = arith.addi %mul3A_464, %get3A_469 : vector<16xi32>
    %swap3A_471 = arith.constant 2 : i32
    %swap3A_472 = arith.index_cast %swap3A_471 : i32 to index
    %swap3A_473 = arith.constant 96 : index
    %swap3A_474 = tpu.vector_load %arg8[%swap3A_472, %swap3A_473] {strides = array<i32>} : memref<4x128xi32, #tpu.memory_space<vmem>>, vector<1x16xi32>,
    %swap3A_475 = vector.shape_cast %swap3A_474 : vector<1x16xi32> to vector<16xi32>
    %swap3A_476 = vector.shape_cast %add3A_470 : vector<16xi32> to vector<1x16xi32>
    tpu.vector_store %arg8[%swap3A_472, %swap3A_473], %swap3A_476 {strides = array<i32>} : memref<4x128xi32, #tpu.memory_space<vmem>>, vector<1x16xi32>,
    %get3A_477 = arith.constant 2 : i32
    %get3A_478 = arith.index_cast %get3A_477 : i32 to index
    %get3A_479 = arith.constant 112 : index
    %get3A_480 = tpu.vector_load %arg6[%get3A_478, %get3A_479] {strides = array<i32>} : memref<4x128xi32, #tpu.memory_space<vmem>>, vector<1x16xi32>,
    %get3A_481 = vector.shape_cast %get3A_480 : vector<1x16xi32> to vector<16xi32>
    %mul3A_482 = arith.constant 51 : i32
    %mul3A_483 = vector.broadcast %mul3A_482 : i32 to vector<16xi32>
    %mul3A_484 = arith.muli %get3A_481, %mul3A_483 : vector<16xi32>
    %get3A_485 = arith.constant 2 : i32
    %get3A_486 = arith.index_cast %get3A_485 : i32 to index
    %get3A_487 = arith.constant 112 : index
    %get3A_488 = tpu.vector_load %arg7[%get3A_486, %get3A_487] {strides = array<i32>} : memref<4x128xi32, #tpu.memory_space<vmem>>, vector<1x16xi32>,
    %get3A_489 = vector.shape_cast %get3A_488 : vector<1x16xi32> to vector<16xi32>
    %add3A_490 = arith.addi %mul3A_484, %get3A_489 : vector<16xi32>
    %swap3A_491 = arith.constant 2 : i32
    %swap3A_492 = arith.index_cast %swap3A_491 : i32 to index
    %swap3A_493 = arith.constant 112 : index
    %swap3A_494 = tpu.vector_load %arg8[%swap3A_492, %swap3A_493] {strides = array<i32>} : memref<4x128xi32, #tpu.memory_space<vmem>>, vector<1x16xi32>,
    %swap3A_495 = vector.shape_cast %swap3A_494 : vector<1x16xi32> to vector<16xi32>
    %swap3A_496 = vector.shape_cast %add3A_490 : vector<16xi32> to vector<1x16xi32>
    tpu.vector_store %arg8[%swap3A_492, %swap3A_493], %swap3A_496 {strides = array<i32>} : memref<4x128xi32, #tpu.memory_space<vmem>>, vector<1x16xi32>,
    %get3A_497 = arith.constant 3 : i32
    %get3A_498 = arith.index_cast %get3A_497 : i32 to index
    %get3A_499 = arith.constant 0 : index
    %get3A_500 = tpu.vector_load %arg6[%get3A_498, %get3A_499] {strides = array<i32>} : memref<4x128xi32, #tpu.memory_space<vmem>>, vector<1x16xi32>,
    %get3A_501 = vector.shape_cast %get3A_500 : vector<1x16xi32> to vector<16xi32>
    %mul3A_502 = arith.constant 51 : i32
    %mul3A_503 = vector.broadcast %mul3A_502 : i32 to vector<16xi32>
    %mul3A_504 = arith.muli %get3A_501, %mul3A_503 : vector<16xi32>
    %get3A_505 = arith.constant 3 : i32
    %get3A_506 = arith.index_cast %get3A_505 : i32 to index
    %get3A_507 = arith.constant 0 : index
    %get3A_508 = tpu.vector_load %arg7[%get3A_506, %get3A_507] {strides = array<i32>} : memref<4x128xi32, #tpu.memory_space<vmem>>, vector<1x16xi32>,
    %get3A_509 = vector.shape_cast %get3A_508 : vector<1x16xi32> to vector<16xi32>
    %add3A_510 = arith.addi %mul3A_504, %get3A_509 : vector<16xi32>
    %swap3A_511 = arith.constant 3 : i32
    %swap3A_512 = arith.index_cast %swap3A_511 : i32 to index
    %swap3A_513 = arith.constant 0 : index
    %swap3A_514 = tpu.vector_load %arg8[%swap3A_512, %swap3A_513] {strides = array<i32>} : memref<4x128xi32, #tpu.memory_space<vmem>>, vector<1x16xi32>,
    %swap3A_515 = vector.shape_cast %swap3A_514 : vector<1x16xi32> to vector<16xi32>
    %swap3A_516 = vector.shape_cast %add3A_510 : vector<16xi32> to vector<1x16xi32>
    tpu.vector_store %arg8[%swap3A_512, %swap3A_513], %swap3A_516 {strides = array<i32>} : memref<4x128xi32, #tpu.memory_space<vmem>>, vector<1x16xi32>,
    %get3A_517 = arith.constant 3 : i32
    %get3A_518 = arith.index_cast %get3A_517 : i32 to index
    %get3A_519 = arith.constant 16 : index
    %get3A_520 = tpu.vector_load %arg6[%get3A_518, %get3A_519] {strides = array<i32>} : memref<4x128xi32, #tpu.memory_space<vmem>>, vector<1x16xi32>,
    %get3A_521 = vector.shape_cast %get3A_520 : vector<1x16xi32> to vector<16xi32>
    %mul3A_522 = arith.constant 51 : i32
    %mul3A_523 = vector.broadcast %mul3A_522 : i32 to vector<16xi32>
    %mul3A_524 = arith.muli %get3A_521, %mul3A_523 : vector<16xi32>
    %get3A_525 = arith.constant 3 : i32
    %get3A_526 = arith.index_cast %get3A_525 : i32 to index
    %get3A_527 = arith.constant 16 : index
    %get3A_528 = tpu.vector_load %arg7[%get3A_526, %get3A_527] {strides = array<i32>} : memref<4x128xi32, #tpu.memory_space<vmem>>, vector<1x16xi32>,
    %get3A_529 = vector.shape_cast %get3A_528 : vector<1x16xi32> to vector<16xi32>
    %add3A_530 = arith.addi %mul3A_524, %get3A_529 : vector<16xi32>
    %swap3A_531 = arith.constant 3 : i32
    %swap3A_532 = arith.index_cast %swap3A_531 : i32 to index
    %swap3A_533 = arith.constant 16 : index
    %swap3A_534 = tpu.vector_load %arg8[%swap3A_532, %swap3A_533] {strides = array<i32>} : memref<4x128xi32, #tpu.memory_space<vmem>>, vector<1x16xi32>,
    %swap3A_535 = vector.shape_cast %swap3A_534 : vector<1x16xi32> to vector<16xi32>
    %swap3A_536 = vector.shape_cast %add3A_530 : vector<16xi32> to vector<1x16xi32>
    tpu.vector_store %arg8[%swap3A_532, %swap3A_533], %swap3A_536 {strides = array<i32>} : memref<4x128xi32, #tpu.memory_space<vmem>>, vector<1x16xi32>,
    %get3A_537 = arith.constant 3 : i32
    %get3A_538 = arith.index_cast %get3A_537 : i32 to index
    %get3A_539 = arith.constant 32 : index
    %get3A_540 = tpu.vector_load %arg6[%get3A_538, %get3A_539] {strides = array<i32>} : memref<4x128xi32, #tpu.memory_space<vmem>>, vector<1x16xi32>,
    %get3A_541 = vector.shape_cast %get3A_540 : vector<1x16xi32> to vector<16xi32>
    %mul3A_542 = arith.constant 51 : i32
    %mul3A_543 = vector.broadcast %mul3A_542 : i32 to vector<16xi32>
    %mul3A_544 = arith.muli %get3A_541, %mul3A_543 : vector<16xi32>
    %get3A_545 = arith.constant 3 : i32
    %get3A_546 = arith.index_cast %get3A_545 : i32 to index
    %get3A_547 = arith.constant 32 : index
    %get3A_548 = tpu.vector_load %arg7[%get3A_546, %get3A_547] {strides = array<i32>} : memref<4x128xi32, #tpu.memory_space<vmem>>, vector<1x16xi32>,
    %get3A_549 = vector.shape_cast %get3A_548 : vector<1x16xi32> to vector<16xi32>
    %add3A_550 = arith.addi %mul3A_544, %get3A_549 : vector<16xi32>
    %swap3A_551 = arith.constant 3 : i32
    %swap3A_552 = arith.index_cast %swap3A_551 : i32 to index
    %swap3A_553 = arith.constant 32 : index
    %swap3A_554 = tpu.vector_load %arg8[%swap3A_552, %swap3A_553] {strides = array<i32>} : memref<4x128xi32, #tpu.memory_space<vmem>>, vector<1x16xi32>,
    %swap3A_555 = vector.shape_cast %swap3A_554 : vector<1x16xi32> to vector<16xi32>
    %swap3A_556 = vector.shape_cast %add3A_550 : vector<16xi32> to vector<1x16xi32>
    tpu.vector_store %arg8[%swap3A_552, %swap3A_553], %swap3A_556 {strides = array<i32>} : memref<4x128xi32, #tpu.memory_space<vmem>>, vector<1x16xi32>,
    %get3A_557 = arith.constant 3 : i32
    %get3A_558 = arith.index_cast %get3A_557 : i32 to index
    %get3A_559 = arith.constant 48 : index
    %get3A_560 = tpu.vector_load %arg6[%get3A_558, %get3A_559] {strides = array<i32>} : memref<4x128xi32, #tpu.memory_space<vmem>>, vector<1x16xi32>,
    %get3A_561 = vector.shape_cast %get3A_560 : vector<1x16xi32> to vector<16xi32>
    %mul3A_562 = arith.constant 51 : i32
    %mul3A_563 = vector.broadcast %mul3A_562 : i32 to vector<16xi32>
    %mul3A_564 = arith.muli %get3A_561, %mul3A_563 : vector<16xi32>
    %get3A_565 = arith.constant 3 : i32
    %get3A_566 = arith.index_cast %get3A_565 : i32 to index
    %get3A_567 = arith.constant 48 : index
    %get3A_568 = tpu.vector_load %arg7[%get3A_566, %get3A_567] {strides = array<i32>} : memref<4x128xi32, #tpu.memory_space<vmem>>, vector<1x16xi32>,
    %get3A_569 = vector.shape_cast %get3A_568 : vector<1x16xi32> to vector<16xi32>
    %add3A_570 = arith.addi %mul3A_564, %get3A_569 : vector<16xi32>
    %swap3A_571 = arith.constant 3 : i32
    %swap3A_572 = arith.index_cast %swap3A_571 : i32 to index
    %swap3A_573 = arith.constant 48 : index
    %swap3A_574 = tpu.vector_load %arg8[%swap3A_572, %swap3A_573] {strides = array<i32>} : memref<4x128xi32, #tpu.memory_space<vmem>>, vector<1x16xi32>,
    %swap3A_575 = vector.shape_cast %swap3A_574 : vector<1x16xi32> to vector<16xi32>
    %swap3A_576 = vector.shape_cast %add3A_570 : vector<16xi32> to vector<1x16xi32>
    tpu.vector_store %arg8[%swap3A_572, %swap3A_573], %swap3A_576 {strides = array<i32>} : memref<4x128xi32, #tpu.memory_space<vmem>>, vector<1x16xi32>,
    %get3A_577 = arith.constant 3 : i32
    %get3A_578 = arith.index_cast %get3A_577 : i32 to index
    %get3A_579 = arith.constant 64 : index
    %get3A_580 = tpu.vector_load %arg6[%get3A_578, %get3A_579] {strides = array<i32>} : memref<4x128xi32, #tpu.memory_space<vmem>>, vector<1x16xi32>,
    %get3A_581 = vector.shape_cast %get3A_580 : vector<1x16xi32> to vector<16xi32>
    %mul3A_582 = arith.constant 51 : i32
    %mul3A_583 = vector.broadcast %mul3A_582 : i32 to vector<16xi32>
    %mul3A_584 = arith.muli %get3A_581, %mul3A_583 : vector<16xi32>
    %get3A_585 = arith.constant 3 : i32
    %get3A_586 = arith.index_cast %get3A_585 : i32 to index
    %get3A_587 = arith.constant 64 : index
    %get3A_588 = tpu.vector_load %arg7[%get3A_586, %get3A_587] {strides = array<i32>} : memref<4x128xi32, #tpu.memory_space<vmem>>, vector<1x16xi32>,
    %get3A_589 = vector.shape_cast %get3A_588 : vector<1x16xi32> to vector<16xi32>
    %add3A_590 = arith.addi %mul3A_584, %get3A_589 : vector<16xi32>
    %swap3A_591 = arith.constant 3 : i32
    %swap3A_592 = arith.index_cast %swap3A_591 : i32 to index
    %swap3A_593 = arith.constant 64 : index
    %swap3A_594 = tpu.vector_load %arg8[%swap3A_592, %swap3A_593] {strides = array<i32>} : memref<4x128xi32, #tpu.memory_space<vmem>>, vector<1x16xi32>,
    %swap3A_595 = vector.shape_cast %swap3A_594 : vector<1x16xi32> to vector<16xi32>
    %swap3A_596 = vector.shape_cast %add3A_590 : vector<16xi32> to vector<1x16xi32>
    tpu.vector_store %arg8[%swap3A_592, %swap3A_593], %swap3A_596 {strides = array<i32>} : memref<4x128xi32, #tpu.memory_space<vmem>>, vector<1x16xi32>,
    %get3A_597 = arith.constant 3 : i32
    %get3A_598 = arith.index_cast %get3A_597 : i32 to index
    %get3A_599 = arith.constant 80 : index
    %get3A_600 = tpu.vector_load %arg6[%get3A_598, %get3A_599] {strides = array<i32>} : memref<4x128xi32, #tpu.memory_space<vmem>>, vector<1x16xi32>,
    %get3A_601 = vector.shape_cast %get3A_600 : vector<1x16xi32> to vector<16xi32>
    %mul3A_602 = arith.constant 51 : i32
    %mul3A_603 = vector.broadcast %mul3A_602 : i32 to vector<16xi32>
    %mul3A_604 = arith.muli %get3A_601, %mul3A_603 : vector<16xi32>
    %get3A_605 = arith.constant 3 : i32
    %get3A_606 = arith.index_cast %get3A_605 : i32 to index
    %get3A_607 = arith.constant 80 : index
    %get3A_608 = tpu.vector_load %arg7[%get3A_606, %get3A_607] {strides = array<i32>} : memref<4x128xi32, #tpu.memory_space<vmem>>, vector<1x16xi32>,
    %get3A_609 = vector.shape_cast %get3A_608 : vector<1x16xi32> to vector<16xi32>
    %add3A_610 = arith.addi %mul3A_604, %get3A_609 : vector<16xi32>
    %swap3A_611 = arith.constant 3 : i32
    %swap3A_612 = arith.index_cast %swap3A_611 : i32 to index
    %swap3A_613 = arith.constant 80 : index
    %swap3A_614 = tpu.vector_load %arg8[%swap3A_612, %swap3A_613] {strides = array<i32>} : memref<4x128xi32, #tpu.memory_space<vmem>>, vector<1x16xi32>,
    %swap3A_615 = vector.shape_cast %swap3A_614 : vector<1x16xi32> to vector<16xi32>
    %swap3A_616 = vector.shape_cast %add3A_610 : vector<16xi32> to vector<1x16xi32>
    tpu.vector_store %arg8[%swap3A_612, %swap3A_613], %swap3A_616 {strides = array<i32>} : memref<4x128xi32, #tpu.memory_space<vmem>>, vector<1x16xi32>,
    %get3A_617 = arith.constant 3 : i32
    %get3A_618 = arith.index_cast %get3A_617 : i32 to index
    %get3A_619 = arith.constant 96 : index
    %get3A_620 = tpu.vector_load %arg6[%get3A_618, %get3A_619] {strides = array<i32>} : memref<4x128xi32, #tpu.memory_space<vmem>>, vector<1x16xi32>,
    %get3A_621 = vector.shape_cast %get3A_620 : vector<1x16xi32> to vector<16xi32>
    %mul3A_622 = arith.constant 51 : i32
    %mul3A_623 = vector.broadcast %mul3A_622 : i32 to vector<16xi32>
    %mul3A_624 = arith.muli %get3A_621, %mul3A_623 : vector<16xi32>
    %get3A_625 = arith.constant 3 : i32
    %get3A_626 = arith.index_cast %get3A_625 : i32 to index
    %get3A_627 = arith.constant 96 : index
    %get3A_628 = tpu.vector_load %arg7[%get3A_626, %get3A_627] {strides = array<i32>} : memref<4x128xi32, #tpu.memory_space<vmem>>, vector<1x16xi32>,
    %get3A_629 = vector.shape_cast %get3A_628 : vector<1x16xi32> to vector<16xi32>
    %add3A_630 = arith.addi %mul3A_624, %get3A_629 : vector<16xi32>
    %swap3A_631 = arith.constant 3 : i32
    %swap3A_632 = arith.index_cast %swap3A_631 : i32 to index
    %swap3A_633 = arith.constant 96 : index
    %swap3A_634 = tpu.vector_load %arg8[%swap3A_632, %swap3A_633] {strides = array<i32>} : memref<4x128xi32, #tpu.memory_space<vmem>>, vector<1x16xi32>,
    %swap3A_635 = vector.shape_cast %swap3A_634 : vector<1x16xi32> to vector<16xi32>
    %swap3A_636 = vector.shape_cast %add3A_630 : vector<16xi32> to vector<1x16xi32>
    tpu.vector_store %arg8[%swap3A_632, %swap3A_633], %swap3A_636 {strides = array<i32>} : memref<4x128xi32, #tpu.memory_space<vmem>>, vector<1x16xi32>,
    %get3A_637 = arith.constant 3 : i32
    %get3A_638 = arith.index_cast %get3A_637 : i32 to index
    %get3A_639 = arith.constant 112 : index
    %get3A_640 = tpu.vector_load %arg6[%get3A_638, %get3A_639] {strides = array<i32>} : memref<4x128xi32, #tpu.memory_space<vmem>>, vector<1x16xi32>,
    %get3A_641 = vector.shape_cast %get3A_640 : vector<1x16xi32> to vector<16xi32>
    %mul3A_642 = arith.constant 51 : i32
    %mul3A_643 = vector.broadcast %mul3A_642 : i32 to vector<16xi32>
    %mul3A_644 = arith.muli %get3A_641, %mul3A_643 : vector<16xi32>
    %get3A_645 = arith.constant 3 : i32
    %get3A_646 = arith.index_cast %get3A_645 : i32 to index
    %get3A_647 = arith.constant 112 : index
    %get3A_648 = tpu.vector_load %arg7[%get3A_646, %get3A_647] {strides = array<i32>} : memref<4x128xi32, #tpu.memory_space<vmem>>, vector<1x16xi32>,
    %get3A_649 = vector.shape_cast %get3A_648 : vector<1x16xi32> to vector<16xi32>
    %add3A_650 = arith.addi %mul3A_644, %get3A_649 : vector<16xi32>
    %swap3A_651 = arith.constant 3 : i32
    %swap3A_652 = arith.index_cast %swap3A_651 : i32 to index
    %swap3A_653 = arith.constant 112 : index
    %swap3A_654 = tpu.vector_load %arg8[%swap3A_652, %swap3A_653] {strides = array<i32>} : memref<4x128xi32, #tpu.memory_space<vmem>>, vector<1x16xi32>,
    %swap3A_655 = vector.shape_cast %swap3A_654 : vector<1x16xi32> to vector<16xi32>
    %swap3A_656 = vector.shape_cast %add3A_650 : vector<16xi32> to vector<1x16xi32>
    tpu.vector_store %arg8[%swap3A_652, %swap3A_653], %swap3A_656 {strides = array<i32>} : memref<4x128xi32, #tpu.memory_space<vmem>>, vector<1x16xi32>,
    %dma_start3A_657 = arith.constant 0 : i32
    %dma_start3A_658 = arith.constant 0 : i32
    %dma_start3A_659 = arith.constant 0 : i32
    %dma_start3A_660 = tpu.memref_slice %arg9[%dma_start3A_658, %dma_start3A_659] : memref<512x64xf32, #tpu.memory_space<vmem>> -> memref<128x64xf32, #tpu.memory_space<vmem>>
    %dma_start3A_661 = arith.constant 0 : i32
    %dma_start3A_662 = tpu.memref_slice %arg8[%dma_start3A_657, %dma_start3A_661] : memref<4x128xi32, #tpu.memory_space<vmem>> -> memref<1x128xi32, #tpu.memory_space<vmem>>
    %dma_start3A_663 = tpu.memref_squeeze %dma_start3A_662 : memref<1x128xi32, #tpu.memory_space<vmem>> -> memref<128xi32, #tpu.memory_space<vmem>>
    %dma_start3A_664 = arith.constant 0 : i32
    %dma_start3A_665 = arith.constant 0 : i32
    %dma_start3A_666 = tpu.memref_slice %arg2[%dma_start3A_664, %dma_start3A_665] : memref<2601x64xf32, #tpu.memory_space<hbm>> -> memref<2601x64xf32, #tpu.memory_space<hbm>>
    tpu.enqueue_indirect_dma source(%dma_start3A_666 : memref<2601x64xf32, #tpu.memory_space<hbm>>) target(%dma_start3A_660 : memref<128x64xf32, #tpu.memory_space<vmem>>) offsets(%dma_start3A_663 : memref<128xi32, #tpu.memory_space<vmem>>) semaphore(%arg10 : memref<!tpu.dma_semaphore, #tpu.memory_space<semaphore_mem>>)
    %dma_start3A_667 = arith.constant 1 : i32
    %dma_start3A_668 = arith.constant 128 : i32
    %dma_start3A_669 = arith.constant 0 : i32
    %dma_start3A_670 = tpu.memref_slice %arg9[%dma_start3A_668, %dma_start3A_669] : memref<512x64xf32, #tpu.memory_space<vmem>> -> memref<128x64xf32, #tpu.memory_space<vmem>>
    %dma_start3A_671 = arith.constant 0 : i32
    %dma_start3A_672 = tpu.memref_slice %arg8[%dma_start3A_667, %dma_start3A_671] : memref<4x128xi32, #tpu.memory_space<vmem>> -> memref<1x128xi32, #tpu.memory_space<vmem>>
    %dma_start3A_673 = tpu.memref_squeeze %dma_start3A_672 : memref<1x128xi32, #tpu.memory_space<vmem>> -> memref<128xi32, #tpu.memory_space<vmem>>
    %dma_start3A_674 = arith.constant 0 : i32
    %dma_start3A_675 = arith.constant 0 : i32
    %dma_start3A_676 = tpu.memref_slice %arg2[%dma_start3A_674, %dma_start3A_675] : memref<2601x64xf32, #tpu.memory_space<hbm>> -> memref<2601x64xf32, #tpu.memory_space<hbm>>
    tpu.enqueue_indirect_dma source(%dma_start3A_676 : memref<2601x64xf32, #tpu.memory_space<hbm>>) target(%dma_start3A_670 : memref<128x64xf32, #tpu.memory_space<vmem>>) offsets(%dma_start3A_673 : memref<128xi32, #tpu.memory_space<vmem>>) semaphore(%arg10 : memref<!tpu.dma_semaphore, #tpu.memory_space<semaphore_mem>>)
    %dma_start3A_677 = arith.constant 2 : i32
    %dma_start3A_678 = arith.constant 256 : i32
    %dma_start3A_679 = arith.constant 0 : i32
    %dma_start3A_680 = tpu.memref_slice %arg9[%dma_start3A_678, %dma_start3A_679] : memref<512x64xf32, #tpu.memory_space<vmem>> -> memref<128x64xf32, #tpu.memory_space<vmem>>
    %dma_start3A_681 = arith.constant 0 : i32
    %dma_start3A_682 = tpu.memref_slice %arg8[%dma_start3A_677, %dma_start3A_681] : memref<4x128xi32, #tpu.memory_space<vmem>> -> memref<1x128xi32, #tpu.memory_space<vmem>>
    %dma_start3A_683 = tpu.memref_squeeze %dma_start3A_682 : memref<1x128xi32, #tpu.memory_space<vmem>> -> memref<128xi32, #tpu.memory_space<vmem>>
    %dma_start3A_684 = arith.constant 0 : i32
    %dma_start3A_685 = arith.constant 0 : i32
    %dma_start3A_686 = tpu.memref_slice %arg2[%dma_start3A_684, %dma_start3A_685] : memref<2601x64xf32, #tpu.memory_space<hbm>> -> memref<2601x64xf32, #tpu.memory_space<hbm>>
    tpu.enqueue_indirect_dma source(%dma_start3A_686 : memref<2601x64xf32, #tpu.memory_space<hbm>>) target(%dma_start3A_680 : memref<128x64xf32, #tpu.memory_space<vmem>>) offsets(%dma_start3A_683 : memref<128xi32, #tpu.memory_space<vmem>>) semaphore(%arg10 : memref<!tpu.dma_semaphore, #tpu.memory_space<semaphore_mem>>)
    %dma_start3A_687 = arith.constant 3 : i32
    %dma_start3A_688 = arith.constant 384 : i32
    %dma_start3A_689 = arith.constant 0 : i32
    %dma_start3A_690 = tpu.memref_slice %arg9[%dma_start3A_688, %dma_start3A_689] : memref<512x64xf32, #tpu.memory_space<vmem>> -> memref<128x64xf32, #tpu.memory_space<vmem>>
    %dma_start3A_691 = arith.constant 0 : i32
    %dma_start3A_692 = tpu.memref_slice %arg8[%dma_start3A_687, %dma_start3A_691] : memref<4x128xi32, #tpu.memory_space<vmem>> -> memref<1x128xi32, #tpu.memory_space<vmem>>
    %dma_start3A_693 = tpu.memref_squeeze %dma_start3A_692 : memref<1x128xi32, #tpu.memory_space<vmem>> -> memref<128xi32, #tpu.memory_space<vmem>>
    %dma_start3A_694 = arith.constant 0 : i32
    %dma_start3A_695 = arith.constant 0 : i32
    %dma_start3A_696 = tpu.memref_slice %arg2[%dma_start3A_694, %dma_start3A_695] : memref<2601x64xf32, #tpu.memory_space<hbm>> -> memref<2601x64xf32, #tpu.memory_space<hbm>>
    tpu.enqueue_indirect_dma source(%dma_start3A_696 : memref<2601x64xf32, #tpu.memory_space<hbm>>) target(%dma_start3A_690 : memref<128x64xf32, #tpu.memory_space<vmem>>) offsets(%dma_start3A_693 : memref<128xi32, #tpu.memory_space<vmem>>) semaphore(%arg10 : memref<!tpu.dma_semaphore, #tpu.memory_space<semaphore_mem>>)
    %dma_wait3A_697 = arith.constant 0 : i32
    %dma_wait3A_698 = arith.constant 0 : i32
    %dma_wait3A_699 = arith.constant 0 : i32
    %dma_wait3A_700 = tpu.memref_slice %arg9[%dma_wait3A_698, %dma_wait3A_699] : memref<512x64xf32, #tpu.memory_space<vmem>> -> memref<128x64xf32, #tpu.memory_space<vmem>>
    %dma_wait3A_701 = arith.constant 0 : i32
    %dma_wait3A_702 = tpu.memref_slice %arg8[%dma_wait3A_697, %dma_wait3A_701] : memref<4x128xi32, #tpu.memory_space<vmem>> -> memref<1x128xi32, #tpu.memory_space<vmem>>
    %dma_wait3A_703 = tpu.memref_squeeze %dma_wait3A_702 : memref<1x128xi32, #tpu.memory_space<vmem>> -> memref<128xi32, #tpu.memory_space<vmem>>
    %dma_wait3A_704 = arith.constant 0 : i32
    %dma_wait3A_705 = arith.constant 0 : i32
    %dma_wait3A_706 = tpu.memref_slice %arg2[%dma_wait3A_704, %dma_wait3A_705] : memref<2601x64xf32, #tpu.memory_space<hbm>> -> memref<2601x64xf32, #tpu.memory_space<hbm>>
    tpu.wait_indirect_dma semaphore(%arg10 : memref<!tpu.dma_semaphore, #tpu.memory_space<semaphore_mem>>) src(%dma_wait3A_706 : memref<2601x64xf32, #tpu.memory_space<hbm>>) dst(%dma_wait3A_700 : memref<128x64xf32, #tpu.memory_space<vmem>>)
    %dma_wait3A_707 = arith.constant 1 : i32
    %dma_wait3A_708 = arith.constant 128 : i32
    %dma_wait3A_709 = arith.constant 0 : i32
    %dma_wait3A_710 = tpu.memref_slice %arg9[%dma_wait3A_708, %dma_wait3A_709] : memref<512x64xf32, #tpu.memory_space<vmem>> -> memref<128x64xf32, #tpu.memory_space<vmem>>
    %dma_wait3A_711 = arith.constant 0 : i32
    %dma_wait3A_712 = tpu.memref_slice %arg8[%dma_wait3A_707, %dma_wait3A_711] : memref<4x128xi32, #tpu.memory_space<vmem>> -> memref<1x128xi32, #tpu.memory_space<vmem>>
    %dma_wait3A_713 = tpu.memref_squeeze %dma_wait3A_712 : memref<1x128xi32, #tpu.memory_space<vmem>> -> memref<128xi32, #tpu.memory_space<vmem>>
    %dma_wait3A_714 = arith.constant 0 : i32
    %dma_wait3A_715 = arith.constant 0 : i32
    %dma_wait3A_716 = tpu.memref_slice %arg2[%dma_wait3A_714, %dma_wait3A_715] : memref<2601x64xf32, #tpu.memory_space<hbm>> -> memref<2601x64xf32, #tpu.memory_space<hbm>>
    tpu.wait_indirect_dma semaphore(%arg10 : memref<!tpu.dma_semaphore, #tpu.memory_space<semaphore_mem>>) src(%dma_wait3A_716 : memref<2601x64xf32, #tpu.memory_space<hbm>>) dst(%dma_wait3A_710 : memref<128x64xf32, #tpu.memory_space<vmem>>)
    %dma_wait3A_717 = arith.constant 2 : i32
    %dma_wait3A_718 = arith.constant 256 : i32
    %dma_wait3A_719 = arith.constant 0 : i32
    %dma_wait3A_720 = tpu.memref_slice %arg9[%dma_wait3A_718, %dma_wait3A_719] : memref<512x64xf32, #tpu.memory_space<vmem>> -> memref<128x64xf32, #tpu.memory_space<vmem>>
    %dma_wait3A_721 = arith.constant 0 : i32
    %dma_wait3A_722 = tpu.memref_slice %arg8[%dma_wait3A_717, %dma_wait3A_721] : memref<4x128xi32, #tpu.memory_space<vmem>> -> memref<1x128xi32, #tpu.memory_space<vmem>>
    %dma_wait3A_723 = tpu.memref_squeeze %dma_wait3A_722 : memref<1x128xi32, #tpu.memory_space<vmem>> -> memref<128xi32, #tpu.memory_space<vmem>>
    %dma_wait3A_724 = arith.constant 0 : i32
    %dma_wait3A_725 = arith.constant 0 : i32
    %dma_wait3A_726 = tpu.memref_slice %arg2[%dma_wait3A_724, %dma_wait3A_725] : memref<2601x64xf32, #tpu.memory_space<hbm>> -> memref<2601x64xf32, #tpu.memory_space<hbm>>
    tpu.wait_indirect_dma semaphore(%arg10 : memref<!tpu.dma_semaphore, #tpu.memory_space<semaphore_mem>>) src(%dma_wait3A_726 : memref<2601x64xf32, #tpu.memory_space<hbm>>) dst(%dma_wait3A_720 : memref<128x64xf32, #tpu.memory_space<vmem>>)
    %dma_wait3A_727 = arith.constant 3 : i32
    %dma_wait3A_728 = arith.constant 384 : i32
    %dma_wait3A_729 = arith.constant 0 : i32
    %dma_wait3A_730 = tpu.memref_slice %arg9[%dma_wait3A_728, %dma_wait3A_729] : memref<512x64xf32, #tpu.memory_space<vmem>> -> memref<128x64xf32, #tpu.memory_space<vmem>>
    %dma_wait3A_731 = arith.constant 0 : i32
    %dma_wait3A_732 = tpu.memref_slice %arg8[%dma_wait3A_727, %dma_wait3A_731] : memref<4x128xi32, #tpu.memory_space<vmem>> -> memref<1x128xi32, #tpu.memory_space<vmem>>
    %dma_wait3A_733 = tpu.memref_squeeze %dma_wait3A_732 : memref<1x128xi32, #tpu.memory_space<vmem>> -> memref<128xi32, #tpu.memory_space<vmem>>
    %dma_wait3A_734 = arith.constant 0 : i32
    %dma_wait3A_735 = arith.constant 0 : i32
    %dma_wait3A_736 = tpu.memref_slice %arg2[%dma_wait3A_734, %dma_wait3A_735] : memref<2601x64xf32, #tpu.memory_space<hbm>> -> memref<2601x64xf32, #tpu.memory_space<hbm>>
    tpu.wait_indirect_dma semaphore(%arg10 : memref<!tpu.dma_semaphore, #tpu.memory_space<semaphore_mem>>) src(%dma_wait3A_736 : memref<2601x64xf32, #tpu.memory_space<hbm>>) dst(%dma_wait3A_730 : memref<128x64xf32, #tpu.memory_space<vmem>>)
    %dma_start3A_737 = arith.constant 0 : i32
    %dma_start3A_738 = tpu.memref_slice %arg5[%mul3A_2, %dma_start3A_737] : memref<16384x64xf32, #tpu.memory_space<hbm>> -> memref<512x64xf32, #tpu.memory_space<hbm>>
    %dma_start3A_739 = arith.constant 0 : i32
    %dma_start3A_740 = tpu.memref_slice %arg5[%mul3A_2, %dma_start3A_739] : memref<16384x64xf32, #tpu.memory_space<hbm>> -> memref<512x64xf32, #tpu.memory_space<hbm>>
    tpu.enqueue_dma source(%arg9 : memref<512x64xf32, #tpu.memory_space<vmem>>) target(%dma_start3A_740 : memref<512x64xf32, #tpu.memory_space<hbm>>) target_semaphore(%arg11 : memref<!tpu.dma_semaphore, #tpu.memory_space<semaphore_mem>>)
    %dma_wait3A_741 = arith.constant 0 : i32
    %dma_wait3A_742 = tpu.memref_slice %arg5[%mul3A_2, %dma_wait3A_741] : memref<16384x64xf32, #tpu.memory_space<hbm>> -> memref<512x64xf32, #tpu.memory_space<hbm>>
    %dma_wait3A_743 = arith.constant 0 : i32
    %dma_wait3A_744 = tpu.memref_slice %arg5[%mul3A_2, %dma_wait3A_743] : memref<16384x64xf32, #tpu.memory_space<hbm>> -> memref<512x64xf32, #tpu.memory_space<hbm>>
    tpu.wait_dma2 semaphore(%arg11 : memref<!tpu.dma_semaphore, #tpu.memory_space<semaphore_mem>>) src(%arg9 : memref<512x64xf32, #tpu.memory_space<vmem>>) dst(%dma_wait3A_744 : memref<512x64xf32, #tpu.memory_space<hbm>>)
    return
  }
}

module attributes {stable_mosaic.version = 14 : i64} {
  func.func @_combo_body(%arg0: memref<51x64xf32, #tpu.memory_space<vmem>>, %arg1: memref<51x64xf32, #tpu.memory_space<vmem>>, %arg2: memref<128x128xf32, #tpu.memory_space<vmem>>, %arg3: memref<1x128xf32, #tpu.memory_space<vmem>>, %arg4: memref<1x128xf32, #tpu.memory_space<vmem>>, %arg5: memref<1x128xf32, #tpu.memory_space<vmem>>, %arg6: memref<128x64xf32, #tpu.memory_space<vmem>>, %arg7: memref<1x64xf32, #tpu.memory_space<vmem>>, %arg8: memref<2601x64xf32, #tpu.memory_space<vmem>>) attributes {dimension_semantics = [], scalar_prefetch = 0 : i64, scratch_operands = 0 : i64, tpu.core_type = #tpu.core_type<tc>} {
    %get3A = arith.constant 0 : index
    %get3A_0 = arith.constant 0 : index
    %get3A_1 = vector.load %arg0[%get3A, %get3A_0] : memref<51x64xf32, #tpu.memory_space<vmem>>, vector<51x64xf32>
    %get3A_2 = arith.constant 0 : index
    %get3A_3 = arith.constant 0 : index
    %get3A_4 = vector.load %arg2[%get3A_2, %get3A_3] : memref<128x128xf32, #tpu.memory_space<vmem>>, vector<64x128xf32>
    %dot_general3A = arith.constant dense<0.000000e+00> : vector<51x128xf32>
    %dot_general3A_5 = tpu.matmul %get3A_1, %get3A_4, %dot_general3A {dimension_numbers = #tpu.dot_dimension_numbers<[1], [0], [0], [1], [0, 0, 1, 1], [], []>, transpose_lhs_hint = false} : vector<51x64xf32>, vector<64x128xf32>, vector<51x128xf32> -> vector<51x128xf32>
    %get3A_6 = arith.constant 0 : index
    %get3A_7 = arith.constant 0 : index
    %get3A_8 = vector.load %arg1[%get3A_6, %get3A_7] : memref<51x64xf32, #tpu.memory_space<vmem>>, vector<51x64xf32>
    %get3A_9 = arith.constant 64 : index
    %get3A_10 = arith.constant 0 : index
    %get3A_11 = vector.load %arg2[%get3A_9, %get3A_10] : memref<128x128xf32, #tpu.memory_space<vmem>>, vector<64x128xf32>
    %dot_general3A_12 = arith.constant dense<0.000000e+00> : vector<51x128xf32>
    %dot_general3A_13 = tpu.matmul %get3A_8, %get3A_11, %dot_general3A_12 {dimension_numbers = #tpu.dot_dimension_numbers<[1], [0], [0], [1], [0, 0, 1, 1], [], []>, transpose_lhs_hint = false} : vector<51x64xf32>, vector<64x128xf32>, vector<51x128xf32> -> vector<51x128xf32>
    %broadcast_in_dim3A = vector.shape_cast %dot_general3A_5 : vector<51x128xf32> to vector<51x1x128xf32>
    %broadcast_in_dim3A_14 = vector.shape_cast %dot_general3A_13 : vector<51x128xf32> to vector<1x51x128xf32>
    %add3A = vector.broadcast %broadcast_in_dim3A : vector<51x1x128xf32> to vector<51x51x128xf32>
    %add3A_15 = vector.broadcast %broadcast_in_dim3A_14 : vector<1x51x128xf32> to vector<51x51x128xf32>
    %add3A_16 = arith.addf %add3A, %add3A_15 : vector<51x51x128xf32>
    %get3A_17 = arith.constant 0 : index
    %get3A_18 = arith.constant 0 : index
    %get3A_19 = vector.load %arg3[%get3A_17, %get3A_18] : memref<1x128xf32, #tpu.memory_space<vmem>>, vector<1x128xf32>
    %broadcast_in_dim3A_20 = vector.shape_cast %get3A_19 : vector<1x128xf32> to vector<1x1x128xf32>
    %add3A_21 = vector.broadcast %broadcast_in_dim3A_20 : vector<1x1x128xf32> to vector<51x51x128xf32>
    %add3A_22 = arith.addf %add3A_16, %add3A_21 : vector<51x51x128xf32>
    %reduce_sum3A = arith.constant dense<0.000000e+00> : vector<51x51xf32>
    %reduce_sum3A_23 = vector.multi_reduction <add>, %add3A_22, %reduce_sum3A [2] : vector<51x51x128xf32> to vector<51x51xf32>
    %broadcast_in_dim3A_24 = vector.shape_cast %reduce_sum3A_23 : vector<51x51xf32> to vector<51x51x1xf32>
    %div3A = arith.constant 1.280000e+02 : f32
    %div3A_25 = vector.broadcast %div3A : f32 to vector<51x51x1xf32>
    %div3A_26 = arith.divf %broadcast_in_dim3A_24, %div3A_25 : vector<51x51x1xf32>
    %sub3A = vector.broadcast %div3A_26 : vector<51x51x1xf32> to vector<51x51x128xf32>
    %sub3A_27 = arith.subf %add3A_22, %sub3A : vector<51x51x128xf32>
    %sub3A_28 = vector.broadcast %div3A_26 : vector<51x51x1xf32> to vector<51x51x128xf32>
    %sub3A_29 = arith.subf %add3A_22, %sub3A_28 : vector<51x51x128xf32>
    %mul3A = arith.mulf %sub3A_27, %sub3A_29 : vector<51x51x128xf32>
    %reduce_sum3A_30 = arith.constant dense<0.000000e+00> : vector<51x51xf32>
    %reduce_sum3A_31 = vector.multi_reduction <add>, %mul3A, %reduce_sum3A_30 [2] : vector<51x51x128xf32> to vector<51x51xf32>
    %broadcast_in_dim3A_32 = vector.shape_cast %reduce_sum3A_31 : vector<51x51xf32> to vector<51x51x1xf32>
    %div3A_33 = arith.constant 1.280000e+02 : f32
    %div3A_34 = vector.broadcast %div3A_33 : f32 to vector<51x51x1xf32>
    %div3A_35 = arith.divf %broadcast_in_dim3A_32, %div3A_34 : vector<51x51x1xf32>
    %sub3A_36 = vector.broadcast %div3A_26 : vector<51x51x1xf32> to vector<51x51x128xf32>
    %sub3A_37 = arith.subf %add3A_22, %sub3A_36 : vector<51x51x128xf32>
    %add3A_38 = arith.constant 9.99999974E-6 : f32
    %add3A_39 = vector.broadcast %add3A_38 : f32 to vector<51x51x1xf32>
    %add3A_40 = arith.addf %div3A_35, %add3A_39 : vector<51x51x1xf32>
    %rsqrt3A = math.rsqrt %add3A_40 : vector<51x51x1xf32>
    %mul3A_41 = vector.broadcast %rsqrt3A : vector<51x51x1xf32> to vector<51x51x128xf32>
    %mul3A_42 = arith.mulf %sub3A_37, %mul3A_41 : vector<51x51x128xf32>
    %get3A_43 = arith.constant 0 : index
    %get3A_44 = arith.constant 0 : index
    %get3A_45 = vector.load %arg4[%get3A_43, %get3A_44] : memref<1x128xf32, #tpu.memory_space<vmem>>, vector<1x128xf32>
    %broadcast_in_dim3A_46 = vector.shape_cast %get3A_45 : vector<1x128xf32> to vector<1x1x128xf32>
    %mul3A_47 = vector.broadcast %broadcast_in_dim3A_46 : vector<1x1x128xf32> to vector<51x51x128xf32>
    %mul3A_48 = arith.mulf %mul3A_42, %mul3A_47 : vector<51x51x128xf32>
    %get3A_49 = arith.constant 0 : index
    %get3A_50 = arith.constant 0 : index
    %get3A_51 = vector.load %arg5[%get3A_49, %get3A_50] : memref<1x128xf32, #tpu.memory_space<vmem>>, vector<1x128xf32>
    %broadcast_in_dim3A_52 = vector.shape_cast %get3A_51 : vector<1x128xf32> to vector<1x1x128xf32>
    %add3A_53 = vector.broadcast %broadcast_in_dim3A_52 : vector<1x1x128xf32> to vector<51x51x128xf32>
    %add3A_54 = arith.addf %mul3A_48, %add3A_53 : vector<51x51x128xf32>
    %logistic3A = arith.negf %add3A_54 : vector<51x51x128xf32>
    %logistic3A_55 = math.exp %logistic3A : vector<51x51x128xf32>
    %logistic3A_56 = arith.constant 1.000000e+00 : f32
    %logistic3A_57 = vector.broadcast %logistic3A_56 : f32 to vector<51x51x128xf32>
    %logistic3A_58 = arith.addf %logistic3A_57, %logistic3A_55 : vector<51x51x128xf32>
    %logistic3A_59 = arith.divf %logistic3A_57, %logistic3A_58 : vector<51x51x128xf32>
    %mul3A_60 = arith.mulf %add3A_54, %logistic3A_59 : vector<51x51x128xf32>
    %reshape3A = vector.shape_cast %mul3A_60 : vector<51x51x128xf32> to vector<2601x128xf32>
    %get3A_61 = arith.constant 0 : index
    %get3A_62 = arith.constant 0 : index
    %get3A_63 = vector.load %arg6[%get3A_61, %get3A_62] : memref<128x64xf32, #tpu.memory_space<vmem>>, vector<128x64xf32>
    %dot_general3A_64 = arith.constant dense<0.000000e+00> : vector<2601x64xf32>
    %dot_general3A_65 = tpu.matmul %reshape3A, %get3A_63, %dot_general3A_64 {dimension_numbers = #tpu.dot_dimension_numbers<[1], [0], [0], [1], [0, 0, 1, 1], [], []>, transpose_lhs_hint = false} : vector<2601x128xf32>, vector<128x64xf32>, vector<2601x64xf32> -> vector<2601x64xf32>
    %get3A_66 = arith.constant 0 : index
    %get3A_67 = arith.constant 0 : index
    %get3A_68 = vector.load %arg7[%get3A_66, %get3A_67] : memref<1x64xf32, #tpu.memory_space<vmem>>, vector<1x64xf32>
    %add3A_69 = vector.broadcast %get3A_68 : vector<1x64xf32> to vector<2601x64xf32>
    %add3A_70 = arith.addf %dot_general3A_65, %add3A_69 : vector<2601x64xf32>
    %swap3A = arith.constant 0 : index
    %swap3A_71 = arith.constant 0 : index
    %swap3A_72 = vector.load %arg8[%swap3A, %swap3A_71] : memref<2601x64xf32, #tpu.memory_space<vmem>>, vector<2601x64xf32>
    tpu.vector_store %arg8[%swap3A, %swap3A_71], %add3A_70 {strides = array<i32>} : memref<2601x64xf32, #tpu.memory_space<vmem>>, vector<2601x64xf32>,
    return
  }
}

</mosaic_0001>

<sc_bundles>
// kernel: kernel.4.cloned.1.call-start
scs
__scs_entry_jumppad:
0x0: {  	(pc) =	sbr.rel $0x88, $3  }
0x1: {  	(tag) =	ssettag $0x0;
	lr =	simm.s32 $0x1  }
0x2: {  	[smem:$0x3F97] =	sst lr;
	_ =	strace $0xD0000000  }
0x3: {  	_ = 	snop  }
0x4: {  	_ = 	snop  }
0x5: {  	_ = 	snop  }
0x6: {  	_ = 	snop  }
0x7: {  	_ = 	snop  }
__scs_overlays_trampoline_lowered:
0x8: {  	[smem:$0x3FA6] =	sst s0  }
0x9: {  	[smem:$0x3FA7] =	sst s1  }
0xa: {  	[smem:$0x3FA8] =	sst s2  }
0xb: {  	[smem:$0x3FA9] =	sst s3  }
0xc: {  	[smem:$0x3FAA] =	sst s4  }
0xd: {  	[smem:$0x3FAB] =	sst s5  }
0xe: {  	[smem:$0x3FAC] =	sst s6  }
0xf: {  	[smem:$0x3FAD] =	sst s7  }
0x10: {  	[smem:$0x3FAE] =	sst s8  }
0x11: {  	[smem:$0x3FAF] =	sst s9;
	s0 =	simm.s32 @!p0 $0x0  }
0x12: {  	s1 =	sld [smem:$0x3F95];
	s0 =	simm.s32 @p0 $0x1  }
0x13: {  	[smem:$0x3FB0] =	sst s0;
	s0 =	simm.s32 @!p1 $0x0  }
0x14: {  	s2 =	sld [smem:$0x3F94];
	s0 =	simm.s32 @p1 $0x1  }
0x15: {  	[smem:$0x3FB1] =	sst s0;
	s0 =	simm.s32 @!p2 $0x0  }
0x16: {  	s3 =	sld [smem:$0x3FDB];
	s0 =	simm.s32 @p2 $0x1  }
0x17: {  	s4 =	simm.s32 $0x1BF5;
	[smem:$0x3FB3] =	sst s0  }
0x18: {  	s0 =	sld [smem:$0x3F96];
	_ =	swait.ge [sflag:s4], $0x0  }
0x19: {  	s7 =	sld [smem:$0x3F97]  }
0x1a: {  	s8 =	sadd.s32 $0xFFFFE003, lr  }
0x1b: {  	s9 =	sadd.s32 $0xFFFFFEF7, lr;
	s5 =	simm.s32 $0xFFFFFFFF;
	p2 =	slt.u32 s8, $0xFFFFF086  }
0x1c: {  	p1 =	slt.u32 s9, $0xF7A;
	s5 =	simm.s32 @!p2 $0x0  }
0x1d: {  	s5 =	simm.s32 @p1 $0x1;
	p0 =	seq.s32 s7, s2  }
0x1e: {  	s7 =	smul.u32 @!p0 $0xF7A, s2;
	p2 =	seq.s32 @!p0 s5, $0x0  }
0x1f: {  	s9 =	smul.u32 $0xF7A, s1;
	s8 =	simm.s32 @!p0 $0x1BF5;
	p2 =	por !p2, p0  }
0x20: {  	[sflag:s8] =	ssyncset.s32 @!p0 $0xFFFFF086;
	s6 =	sadd.s32 @!p0 s3, s7;
	s7 =	simm.s32 @!p0 $0x108  }
0x21: {  	s3 =	sadd.s32 s3, s9;
	s6 =	sadd.s32 @!p0 $0x88, s6;
	s7 =	simm.s32 @p2 $0x1082  }
0x22: {  	[simem:s7], [sflag:s8] =	dma.local @!p0 [hbm:s6], $0xF7A  }
0x23: {  	s9 =	sor.u32 $0xD0000000, s2;
	s6 =	simm.s32 $0x108;
	_ =	swait.ge @!p0 [sflag:s8], $0x0  }
0x24: {  	s3 =	sadd.s32 $0x88, s3;
	s6 =	simm.s32 @!p1 $0x1082;
	[sflag:s4] =	ssyncset.s32 $0xFFFFF086  }
0x25: {  	[simem:s6], [sflag:s4] =	dma.local [hbm:s3], $0xF7A  }
0x26: {  	[smem:$0x3F97] =	sst s1;
	(tag) =	ssettag s2;
	_ =	strace s9  }
0x27: {  	s1 =	sld [smem:$0x3FA7]  }
0x28: {  	s2 =	sld [smem:$0x3FA8]  }
0x29: {  	s4 =	sld [smem:$0x3FAA]  }
0x2a: {  	p0 =	seq.s32 s5, $0x0;
	s5 =	sld [smem:$0x3FAB]  }
0x2b: {  	s6 =	sld [smem:$0x3FAC]  }
0x2c: {  	s7 =	sld [smem:$0x3FAD]  }
0x2d: {  	s3 =	simm.s32 $0x108;
	s8 =	sld [smem:$0x3FAE]  }
0x2e: {  	s3 =	simm.s32 @!p0 $0x1082;
	s9 =	sld [smem:$0x3FAF]  }
0x2f: {  	lr =	sadd.s32 s0, s3;
	s0 =	sld [smem:$0x3FA6]  }
0x30: {  	s3 =	sld [smem:$0x3FA9]  }
0x31: {  	[smem:$0x3FB2] =	sst s10  }
0x32: {  	s10 =	sld [smem:$0x3FB0];
	_ =	sdelay $0x3  }
0x33: {  	p0 =	seq.s32 s10, $0x1;
	s10 =	sld [smem:$0x3FB2];
	_ =	sdelay $0x3  }
0x34: {  	[smem:$0x3FB2] =	sst s10  }
0x35: {  	s10 =	sld [smem:$0x3FB1];
	_ =	sdelay $0x3  }
0x36: {  	p1 =	seq.s32 s10, $0x1;
	s10 =	sld [smem:$0x3FB2];
	_ =	sdelay $0x3  }
0x37: {  	[smem:$0x3FB2] =	sst s10  }
0x38: {  	s10 =	sld [smem:$0x3FB3]  }
0x39: {  	_ = 	snop;
	(pc) =	sbr.ind lr, $3  }
0x3a: {  	_ = 	snop  }
0x3b: {  	_ = 	snop  }
0x3c: {  	p2 =	seq.s32 s10, $0x1;
	s10 =	sld [smem:$0x3FB2]  }
0x3d: {  	_ =	shalt  }
0x3e: {  	_ =	shalt  }
0x3f: {  	_ =	shalt  }
0x40: {  	_ =	shalt  }
0x41: {  	_ =	shalt  }
0x42: {  	_ =	shalt  }
0x43: {  	_ =	shalt  }
0x44: {  	_ =	shalt  }
0x45: {  	_ =	shalt  }
0x46: {  	_ =	shalt  }
0x47: {  	_ =	shalt  }
0x48: {  	_ =	shalt  }
0x49: {  	_ =	shalt  }
0x4a: {  	_ =	shalt  }
0x4b: {  	_ =	shalt  }
0x4c: {  	_ =	shalt  }
0x4d: {  	_ =	shalt  }
0x4e: {  	_ =	shalt  }
0x4f: {  	_ =	shalt  }
0x50: {  	_ =	shalt  }
0x51: {  	_ =	shalt  }
0x52: {  	_ =	shalt  }
0x53: {  	_ =	shalt  }
0x54: {  	_ =	shalt  }
0x55: {  	_ =	shalt  }
0x56: {  	_ =	shalt  }
0x57: {  	_ =	shalt  }
0x58: {  	_ =	shalt  }
0x59: {  	_ =	shalt  }
0x5a: {  	_ =	shalt  }
0x5b: {  	_ =	shalt  }
0x5c: {  	_ =	shalt  }
0x5d: {  	_ =	shalt  }
0x5e: {  	_ =	shalt  }
0x5f: {  	_ =	shalt  }
0x60: {  	_ =	shalt  }
0x61: {  	_ =	shalt  }
0x62: {  	_ =	shalt  }
0x63: {  	_ =	shalt  }
0x64: {  	_ =	shalt  }
0x65: {  	_ =	shalt  }
0x66: {  	_ =	shalt  }
0x67: {  	_ =	shalt  }
0x68: {  	_ =	shalt  }
0x69: {  	_ =	shalt  }
0x6a: {  	_ =	shalt  }
0x6b: {  	_ =	shalt  }
0x6c: {  	_ =	shalt  }
0x6d: {  	_ =	shalt  }
0x6e: {  	_ =	shalt  }
0x6f: {  	_ =	shalt  }
0x70: {  	_ =	shalt  }
0x71: {  	_ =	shalt  }
0x72: {  	_ =	shalt  }
0x73: {  	_ =	shalt  }
0x74: {  	_ =	shalt  }
0x75: {  	_ =	shalt  }
0x76: {  	_ =	shalt  }
0x77: {  	_ =	shalt  }
0x78: {  	_ =	shalt  }
0x79: {  	_ =	shalt  }
0x7a: {  	_ =	shalt  }
0x7b: {  	_ =	shalt  }
0x7c: {  	_ =	shalt  }
0x7d: {  	_ =	shalt  }
0x7e: {  	_ =	shalt  }
0x7f: {  	_ =	shalt  }
0x80: {  	_ =	shalt  }
0x81: {  	_ =	shalt  }
0x82: {  	_ =	shalt  }
0x83: {  	_ =	shalt  }
0x84: {  	_ =	shalt  }
0x85: {  	_ =	shalt  }
0x86: {  	_ =	shalt  }
0x87: {  	_ =	shalt  }
.Lfunc_end0:
.L_simem_size_0:
called_computation_lowered:
.L_overlay_start_0:
0x88: {  	s2 =	sld [smem:$0x3FD9]  }
0x89: {  	s3 =	sld [smem:$0x3FFE];
	_ =	sdelay $0x1  }
0x8a: {  	s1 =	srdreg.scid  }
0x8b: {  	s0 =	sand.u32 $0x1, s1  }
0x8c: {  	s17 =	sshll.u32 s0, $0xA;
	s2 =	sadd.s32 s3, s2  }
0x8d: {  	s2 =	sadd.s32 s2, s17  }
0x8e: {  	[smem:$0x3FBE] =	sst s2  }
0x8f: {  	_ = 	snop  }
0x90: {  	s2 =	sld [smem:$0x3FC9]  }
0x91: {  	s18 =	sld [smem:$0x3FC8]  }
0x92: {  	s4 =	sld [smem:$0x3FD0];
	(tm) =	ssettm $0x1  }
0x93: {  	s5 =	sld [smem:$0x3FFB];
	_ =	sdelay $0x3  }
0x94: {  	_ =	strace s5  }
0x95: {  	s5 =	sld [smem:$0x3FFC];
	_ =	sdelay $0x3  }
0x96: {  	_ =	strace s5  }
0x97: {  	s5 =	sld [smem:$0x3FFD];
	_ =	sdelay $0x3  }
0x98: {  	_ =	strace s5  }
0x99: {  	_ =	strace $0x8FFFFFFF  }
0x9a: {  	s19 =	sld [smem:$0x3FDB];
	_ =	sdelay $0x1  }
0x9b: {  	s6 =	simm.s32 $_scs_section_size  }
0x9c: {  	s7 =	simm.s32 $_size__tile_overlayer_lowered;
	s8 =	simm.s32 $_tile_overlayer_lowered  }
0x9d: {  	s22 =	simm.s32 $0x1BFF;
	s21 =	sshll.u32 s8, $0x1;
	s5 =	sadd.s32 s6, s19  }
0x9e: {  	s9 =	simm.s32 $0x0;
	s20 =	sshll.u32 s7, $0x1;
	s7 =	sadd.s32 s21, s5  }
0x9f: {  	[timem:s9], [sflag:s22] =	dma.local [hbm:s7], s20  }
0xa0: {  	_ =	swait.ge [sflag:s22], s20  }
0xa1: {  	s6 =	ssub.s32 $0x0, s20;
	[sflag:s22] =	ssyncset.done $0x0  }
0xa2: {  	[sflag:s22] =	ssyncadd.s32 s6;
	_ =	sdelay $0x1  }
0xa3: {  	s23 =	simm.s32 $0x1B8B  }
0xa4: {  	_ =	swait.ge [sflag:s23], $0x1  }
0xa5: {  	[sflag:s23] =	ssyncset.done $0x0  }
0xa6: {  	s25 =	simm.s32 $0x1B8E;
	s24 =	sld [smem:$0x3FFE];
	[sflag:s23] =	ssyncadd.s32 $0xFFFFFFFF  }
0xa7: {  	s26 =	simm.s32 $execute0_lowered;
	[smem:$0x3FD2] =	sst s25  }
0xa8: {  	s7 =	sshll.u32 s26, $0x1;
	_ =	strace $0x80000046;
	[dreg:$0x1] =	wrdreg $0xFFFFFFFF  }
0xa9: {  	s28 =	simm.s32 $_size_execute0_lowered;
	s5 =	sadd.s32 s5, s7;
	[dreg:$0x0] =	wrdreg $0x0  }
0xaa: {  	s7 =	sshll.u32 s28, $0x1;
	[dreg:$0x2] =	wrdreg s5  }
0xab: {  	[dreg:$0x3] =	wrdreg s7  }
0xac: {  	[dreg:$0x4] =	wrdreg $0xC0  }
0xad: {  	_ =	task [dreg:s9], $0x5FFFF  }
0xae: {  	[dreg:$0x1] =	wrdreg $0xFFFFFFFF  }
0xaf: {  	[dreg:$0x0] =	wrdreg $0x60  }
0xb0: {  	[dreg:$0x2] =	wrdreg s24  }
0xb1: {  	[dreg:$0x3] =	wrdreg s2  }
0xb2: {  	[dreg:$0x4] =	wrdreg s18  }
0xb3: {  	[dreg:$0x5] =	wrdreg s4  }
0xb4: {  	[dreg:$0x6] =	wrdreg $0x9  }
0xb5: {  	_ =	task.clear_ibuf [dreg:s9], $0x7FFFF;
	_ =	strace $0x90000046  }
0xb6: {  	s29 =	simm.s32 $0x9;
	_ =	strace $0x80000048  }
0xb7: {  	_ =	swait.ge [sflag:s29], $0x1  }
0xb8: {  	[sflag:s29] =	ssyncadd.s32 $0xFFFFFFFF  }
0xb9: {  	_ =	strace $0x90000048  }
0xba: {  	_ =	sfence  }
0xbb: {  	s30 =	sld [smem:$0x0];
	_ =	sdelay $0x2  }
0xbc: {  	s31 =	sshll.u32 s1, $0xD;
	s1 =	sshrl.u32 s1, $0x2  }
0xbd: {  	s3 =	sand.u32 $0x4000, s31;
	s1 =	sadd.s32 s1, s30  }
0xbe: {  	s0 =	sor.u32 s3, s0;
	s1 =	sshll.u32 s1, $0x11  }
0xbf: {  	s0 =	sor.u32 s1, s0  }
0xc0: {  	s0 =	sadd.s32 $0x8F2B, s0  }
0xc1: {  	[sflag:s0] =	ssyncadd.remote.s32 $0x1  }
0xc2: {  	_ =	sfence.sel $0xFFFF  }
0xc3: {  	[dreg:$0x0] =	wrdreg $0xFFFFFFFF;
	(pc) =	sbr.abs _section_cstart, $3  }
0xc4: {  	[dreg:$0x1] =	wrdreg $0xFFFFFFFF  }
0xc5: {  	_ =	task.clear_ibuf [dreg:s9], $0x2FFFF;
	_ =	strace $0x9FFFFFFF  }
0xc6: {  	(tm) =	ssettm $0x7FFFFFFF  }
0xc7: {  	_ =	shalt  }
tec
execute0_lowered:
.L_overlay_start_1:
0x0: {  	(tag) =	ssettag $0x1  }
0x1: {  	s3 =	rddreg [dreg:$0x0]  }
0x2: {  	s4 =	rddreg [dreg:$0x1]  }
0x3: {  	s5 =	rddreg [dreg:$0x2]  }
0x4: {  	s6 =	rddreg [dreg:$0x3]  }
0x5: {  	s0 =	rddreg [dreg:$0x4]  }
0x6: {  	s2 =	simm.s32 $0x0;
	s7 =	srdreg.scid;
	s1 =	stileid.u32  }
0x7: {  	s11 =	simm.s32 $0x400;
	s12 =	simm.s32 $0x600;
	s13 =	simm.s32 $0x480  }
0x8: {  	s14 =	simm.s32 $0x2600;
	s15 =	simm.s32 $0x500;
	s16 =	simm.s32 $0x4600  }
0x9: {  	s17 =	simm.s32 $0x580;
	s18 =	simm.s32 $0x6600;
	s19 =	simm.s32 $0x2  }
0xa: {  	[smem:$0x7FF] =	sst s2;
	s7 =	sand.u32 $0x1, s7;
	s8 =	sshll.u32 s1, $0x1  }
0xb: {  	s3 =	sadd.s32 $0x1200, s3;
	s9 =	ssub.s32 $0x2, s7;
	s7 =	sor.u32 s7, s8  }
0xc: {  	_ =	strace $0x80000047;
	s31 =	sshrl.u32 s9, $0x1;
	s10 =	sshll.u32 s7, $0x6  }
0xd: {  	s7 =	sshll.u32 s7, $0xC;
	s8 =	ssub.s32 s9, s31;
	s4 =	sadd.s32 s4, s10  }
0xe: {  	s5 =	sadd.s32 s5, s10;
	s6 =	sadd.s32 s6, s7;
	s9 =	simm.s32 $0x1  }
0xf: {  	s10 =	simm.s32 $0x80;
	s7 =	smax.u32 s8, $0x1;
	s8 =	simm.s32 $0x200  }
.LBB2_1:
0x10: {  	[tilespmem:s2], [sflag:$0x1] =	stream.linear.gather [hbm4b:s4+s2], $0x200, $0x38;
	[tilespmem:$0x8600] =	vst v63  }
0x11: {  	_ = 	snop  }
0x12: {  	[tilespmem:s8], [sflag:$0x1] =	stream.linear.gather [hbm4b:s5+s2], $0x200, $0x38;
	[tilespmem:$0x8600] =	vst v63  }
0x13: {  	_ =	swait.ge [sflag:s9], $0x200  }
0x14: {  	[sflag:s9] =	ssyncset.done $0x0  }
0x15: {  	[sflag:s9] =	ssyncadd.s32 $0xFFFFFE00  }
0x16: {  	_ =	swait.ge [sflag:s9], $0x200  }
0x17: {  	[sflag:s9] =	ssyncset.done $0x0  }
0x18: {  	[sflag:s9] =	ssyncadd.s32 $0xFFFFFE00  }
0x19: {  	v0 =	vld [tilespmem:$0x0]  }
0x1a: {  	v1 =	vld [tilespmem:$0x200]  }
0x1b: {  	v2 =	vld [tilespmem:$0x10]  }
0x1c: {  	v3 =	vld [tilespmem:$0x210]  }
0x1d: {  	v4 =	vld [tilespmem:$0x20]  }
0x1e: {  	v5 =	vld [tilespmem:$0x220]  }
0x1f: {  	v6 =	vld [tilespmem:$0x30]  }
0x20: {  	v7 =	vld [tilespmem:$0x230]  }
0x21: {  	v8 =	vld [tilespmem:$0x40]  }
0x22: {  	v9 =	vld [tilespmem:$0x240]  }
0x23: {  	v10 =	vld [tilespmem:$0x50]  }
0x24: {  	v11 =	vld [tilespmem:$0x250]  }
0x25: {  	v12 =	vld [tilespmem:$0x60]  }
0x26: {  	v13 =	vld [tilespmem:$0x260]  }
0x27: {  	v14 =	vld [tilespmem:$0x70]  }
0x28: {  	v15 =	vld [tilespmem:$0x270]  }
0x29: {  	v16 =	vld [tilespmem:$0x80]  }
0x2a: {  	v17 =	vld [tilespmem:$0x280]  }
0x2b: {  	v18 =	vld [tilespmem:$0x90]  }
0x2c: {  	v19 =	vld [tilespmem:$0x290]  }
0x2d: {  	v20 =	vld [tilespmem:$0xA0]  }
0x2e: {  	v21 =	vld [tilespmem:$0x2A0]  }
0x2f: {  	v22 =	vld [tilespmem:$0xB0]  }
0x30: {  	v23 =	vld [tilespmem:$0x2B0]  }
0x31: {  	v24 =	vld [tilespmem:$0xC0]  }
0x32: {  	v25 =	vld [tilespmem:$0x2C0]  }
0x33: {  	v26 =	vld [tilespmem:$0xD0]  }
0x34: {  	v27 =	vld [tilespmem:$0x2D0]  }
0x35: {  	v28 =	vld [tilespmem:$0xE0]  }
0x36: {  	v29 =	vld [tilespmem:$0x2E0]  }
0x37: {  	v30 =	vld [tilespmem:$0xF0]  }
0x38: {  	v31 =	vld [tilespmem:$0x2F0]  }
0x39: {  	v32 =	vld [tilespmem:$0x100]  }
0x3a: {  	v33 =	vld [tilespmem:$0x300]  }
0x3b: {  	v34 =	vld [tilespmem:$0x110]  }
0x3c: {  	v35 =	vld [tilespmem:$0x310];
	v0 =	vmul.u32 $0x33, v0  }
0x3d: {  	v36 =	vld [tilespmem:$0x120];
	v2 =	vmul.u32 $0x33, v2  }
0x3e: {  	v38 =	vld [tilespmem:$0x350];
	v54 =	vmul.u32 $0x33, v4;
	v0 =	vadd.s32 v1, v0  }
0x3f: {  	v41 =	vld [tilespmem:$0x160];
	v56 =	vmul.u32 $0x33, v6;
	v55 =	vadd.s32 v3, v2;
	[tilespmem:$0x400] =	vst v0  }
0x40: {  	v44 =	vld [tilespmem:$0x360];
	v58 =	vmul.u32 $0x33, v8;
	v57 =	vadd.s32 v5, v54;
	[tilespmem:$0x410] =	vst v55  }
0x41: {  	v47 =	vld [tilespmem:$0x170];
	v60 =	vmul.u32 $0x33, v10;
	v59 =	vadd.s32 v7, v56;
	[tilespmem:$0x420] =	vst v57  }
0x42: {  	v50 =	vld [tilespmem:$0x370];
	v62 =	vmul.u32 $0x33, v12;
	v61 =	vadd.s32 v9, v58;
	[tilespmem:$0x430] =	vst v59  }
0x43: {  	v53 =	vld [tilespmem:$0x180];
	v12 =	vmul.u32 $0x33, v14;
	v63 =	vadd.s32 v11, v60;
	[tilespmem:$0x440] =	vst v61  }
0x44: {  	v4 =	vld [tilespmem:$0x320];
	v37 =	vmul.u32 $0x33, v16;
	v14 =	vadd.s32 v13, v62;
	[tilespmem:$0x450] =	vst v63  }
0x45: {  	v6 =	vld [tilespmem:$0x140];
	v40 =	vmul.u32 $0x33, v18;
	v39 =	vadd.s32 v15, v12;
	[tilespmem:$0x460] =	vst v14  }
0x46: {  	v8 =	vld [tilespmem:$0x150];
	v43 =	vmul.u32 $0x33, v20;
	v42 =	vadd.s32 v17, v37;
	[tilespmem:$0x470] =	vst v39  }
0x47: {  	v46 =	vmul.u32 $0x33, v22;
	v22 =	vld [tilespmem:$0x1A0];
	v45 =	vadd.s32 v19, v40;
	[tilespmem:$0x480] =	vst v42  }
0x48: {  	v49 =	vmul.u32 $0x33, v24;
	v3 =	vld [tilespmem:$0x130];
	v48 =	vadd.s32 v21, v43;
	[tilespmem:$0x490] =	vst v45  }
0x49: {  	v24 =	vmul.u32 $0x33, v36;
	v36 =	vmul.u32 $0x33, v41;
	v5 =	vld [tilespmem:$0x330];
	v51 =	vadd.s32 v23, v46;
	[tilespmem:$0x4A0] =	vst v48  }
0x4a: {  	v52 =	vmul.u32 $0x33, v26;
	v7 =	vld [tilespmem:$0x340];
	v54 =	vadd.s32 v25, v49;
	[tilespmem:$0x4B0] =	vst v51  }
0x4b: {  	v56 =	vld [tilespmem:$0x380];
	v58 =	vmul.u32 $0x33, v30;
	v41 =	vadd.s32 v44, v36;
	[tilespmem:$0x4C0] =	vst v54  }
0x4c: {  	v62 =	vld [tilespmem:$0x390];
	v21 =	vmul.u32 $0x33, v34;
	v57 =	vadd.s32 v27, v52;
	[tilespmem:$0x560] =	vst v41  }
0x4d: {  	v25 =	vld [tilespmem:$0x3A0];
	v55 =	vmul.u32 $0x33, v28;
	[tilespmem:$0x4D0] =	vst v57;
	v63 =	vadd.s32 v31, v58  }
0x4e: {  	v34 =	vld [tilespmem:$0x1C0];
	v61 =	vmul.u32 $0x33, v32;
	v26 =	vadd.s32 v35, v21;
	[tilespmem:$0x4F0] =	vst v63  }
0x4f: {  	v37 =	vld [tilespmem:$0x3C0];
	v60 =	vadd.s32 v29, v55;
	[tilespmem:$0x510] =	vst v26  }
0x50: {  	v40 =	vld [tilespmem:$0x1D0];
	v39 =	vmul.u32 $0x33, v47;
	v23 =	vadd.s32 v33, v61;
	[tilespmem:$0x4E0] =	vst v60  }
0x51: {  	v43 =	vld [tilespmem:$0x3D0];
	v29 =	vadd.s32 v4, v24;
	v30 =	vmul.u32 $0x33, v6;
	[tilespmem:$0x500] =	vst v23  }
0x52: {  	v46 =	vld [tilespmem:$0x1E0];
	v33 =	vmul.u32 $0x33, v8;
	v44 =	vadd.s32 v50, v39;
	[tilespmem:$0x520] =	vst v29  }
0x53: {  	v59 =	vld [tilespmem:$0x190];
	v42 =	vmul.u32 $0x33, v53;
	[tilespmem:$0x570] =	vst v44;
	v35 =	vadd.s32 v7, v30  }
0x54: {  	v28 =	vld [tilespmem:$0x1B0];
	v48 =	vmul.u32 $0x33, v22;
	v38 =	vadd.s32 v38, v33;
	[tilespmem:$0x540] =	vst v35  }
0x55: {  	v49 =	vld [tilespmem:$0x1F0];
	v27 =	vmul.u32 $0x33, v3;
	v47 =	vadd.s32 v56, v42;
	[tilespmem:$0x550] =	vst v38  }
0x56: {  	v31 =	vld [tilespmem:$0x3B0];
	v53 =	vadd.s32 v25, v48;
	v54 =	vmul.u32 $0x33, v34;
	[tilespmem:$0x580] =	vst v47  }
0x57: {  	v52 =	vld [tilespmem:$0x3E0];
	v57 =	vmul.u32 $0x33, v40;
	[tilespmem:$0x5A0] =	vst v53;
	v32 =	vadd.s32 v5, v27  }
0x58: {  	v55 =	vld [tilespmem:$0x3F0];
	v45 =	vmul.u32 $0x33, v59;
	v58 =	vadd.s32 v37, v54;
	[tilespmem:$0x530] =	vst v32  }
0x59: {  	v51 =	vmul.u32 $0x33, v28;
	v60 =	vadd.s32 v43, v57;
	[tilespmem:$0x5C0] =	vst v58  }
0x5a: {  	v59 =	vmul.u32 $0x33, v46;
	v50 =	vadd.s32 v62, v45;
	[tilespmem:$0x5D0] =	vst v60  }
0x5b: {  	v61 =	vmul.u32 $0x33, v49;
	v56 =	vadd.s32 v31, v51;
	[tilespmem:$0x590] =	vst v50  }
0x5c: {  	v62 =	vadd.s32 v52, v59;
	[tilespmem:$0x5B0] =	vst v56  }
0x5d: {  	v63 =	vadd.s32 v55, v61;
	[tilespmem:$0x5E0] =	vst v62  }
0x5e: {  	[tilespmem:$0x5F0] =	vst v63  }
0x5f: {  	[tilespmem:s12], [sflag:$0x1] =	stream.indirect.gather [hbm4b:s3+s10], $0x40, s11, s10, $0xb8;
	[tilespmem:$0x8600] =	vst v63  }
0x60: {  	_ = 	snop  }
0x61: {  	[tilespmem:s14], [sflag:$0x1] =	stream.indirect.gather [hbm4b:s3+s10], $0x40, s13, s10, $0xb8;
	[tilespmem:$0x8600] =	vst v63  }
0x62: {  	_ = 	snop  }
0x63: {  	[tilespmem:s16], [sflag:$0x1] =	stream.indirect.gather [hbm4b:s3+s10], $0x40, s15, s10, $0xb8;
	[tilespmem:$0x8600] =	vst v63  }
0x64: {  	_ = 	snop  }
0x65: {  	[tilespmem:s18], [sflag:$0x1] =	stream.indirect.gather [hbm4b:s3+s10], $0x40, s17, s10, $0xb8;
	[tilespmem:$0x8600] =	vst v63  }
0x66: {  	_ =	swait.ge [sflag:s9], $0x2000  }
0x67: {  	[sflag:s9] =	ssyncset.done $0x0  }
0x68: {  	[sflag:s9] =	ssyncadd.s32 $0xFFFFE000  }
0x69: {  	_ =	swait.ge [sflag:s9], $0x2000  }
0x6a: {  	[sflag:s9] =	ssyncset.done $0x0  }
0x6b: {  	[sflag:s9] =	ssyncadd.s32 $0xFFFFE000  }
0x6c: {  	_ =	swait.ge [sflag:s9], $0x2000  }
0x6d: {  	[sflag:s9] =	ssyncset.done $0x0  }
0x6e: {  	[sflag:s9] =	ssyncadd.s32 $0xFFFFE000  }
0x6f: {  	_ =	swait.ge [sflag:s9], $0x2000  }
0x70: {  	p0 =	sne.s32 s7, $0x1;
	[sflag:s9] =	ssyncset.done $0x0  }
.Ltmp0:
0x71: {  	[sflag:s9] =	ssyncadd.s32 $0xFFFFE000;
	(pc) =	sbr.rel @p0 .LBB2_1-.Ltmp0, $4  }
0x72: {  	[hbm4b:s6+s2] =	stream.linear.scatter [tilespmem:s12], [sflag:$0x2], $0x8000, $0x38;
	[tilespmem:$0x8600] =	vst v63  }
0x73: {  	_ =	swait.ge [sflag:s19], $0x8000  }
0x74: {  	[sflag:s19] =	ssyncset.done $0x0  }
0x75: {  	s7 =	sadd.s32 $0xFFFFFFFF, s7;
	[sflag:s19] =	ssyncadd.s32 $0xFFFF8000  }
0x76: {  	_ =	sfence.sel $0x180000  }
0x77: {  	[bflag:$0x0] =	sbarrier.arrive $0xFFFF  }
0x78: {  	p0 =	sne.s32 s1, $0x0;
	_ =	strace $0x90000047  }
0x79: {  	s0 =	sadd.s32 @!p0 $0x100000, s0;
	[bflag:$0x2] =	sbarrier.arrive $0xFFFF  }
0x7a: {  	[sflag:s0] =	ssyncadd.tile.s32 @!p0 $0x1;
	_ =	shalt  }
.Lfunc_end2:
_tile_overlayer_lowered:
.L_overlay_start_2:
0x7b: {  	(tag) =	ssettag $0x2  }
0x7c: {  	s0 =	rddreg [dreg:$0x0];
	s2 =	stileid.u32  }
0x7d: {  	s1 =	rddreg [dreg:$0x1];
	p0 =	sne.s32 s2, $0x0  }
0x7e: {  	s3 =	rddreg [dreg:$0x2];
	[bflag:$0x3] =	sbarrier.arrive $0xFFFF;
	s2 =	simm.s32 @!p0 $0x1C03  }
0x7f: {  	[timem:s3], [sflag:s2] =	dma.local @!p0 [hbm:s0], s1  }
0x80: {  	s0 =	simm.s32 @!p0 $0x3  }
0x81: {  	_ =	swait.ge @!p0 [sflag:s0], s1  }
0x82: {  	s1 =	ssub.s32 @!p0 $0x0, s1;
	[sflag:s0] =	ssyncset.done @!p0 $0x0  }
0x83: {  	[sflag:s0] =	ssyncadd.s32 @!p0 s1  }
0x84: {  	[bflag:$0x3] =	sbarrier.arrive $0xFFFF  }
0x85: {  	_ =	shalt  }

</sc_bundles>
